<compile_context>
chip_gen: v7x
topology: tpu7x:2x2x1
jax: 0.10.2.dev20260603
libtpu: 0.0.44.dev20260713+nightly
codegen_flags: <defaults>
</compile_context>

<pallas_src>
import functools

import jax
import jax.numpy as jnp
from jax import lax
from jax.experimental import pallas as pl
from jax.experimental.pallas import tpu as pltpu
from jax.experimental.pallas import tpu_sc as plsc

N_MOV = 100000
N_EDGE = 1600000
N_PHASE = 50000
N_INTER = 12500

NC, NS = 2, 16
NW = NC * NS
CE = 12800
NCH = N_EDGE // CE
CPT = -(-NCH // NW)

INT_MAX = 2147483647


def _diff_body(xt_ref, o_ref):
    o_ref[...] = xt_ref[0, :] - xt_ref[1, :]


def _diff(xt):
    return pl.pallas_call(
        _diff_body,
        out_shape=jax.ShapeDtypeStruct((N_MOV,), jnp.float32),
    )(xt)


_sc_mesh = plsc.VectorSubcoreMesh(core_axis_name="c", subcore_axis_name="s")


@functools.partial(
    pl.kernel,
    mesh=_sc_mesh,
    out_type=jax.ShapeDtypeStruct((NC, N_PHASE), jnp.float32),
    scratch_types=[
        pltpu.VMEM((CE,), jnp.int32),
        pltpu.VMEM((CE,), jnp.int32),
        pltpu.VMEM((CE,), jnp.float32),
        pltpu.VMEM_SHARED((N_PHASE,), jnp.float32),
        pltpu.SemaphoreType.DMA,
    ],
)
def _seg_sum(diff_hbm, src_hbm, dst_hbm, zeros_hbm, out_hbm,
             src_v, dst_v, vals_v, acc, sem):
    c = lax.axis_index("c")
    s = lax.axis_index("s")
    wid = c * NS + s

    @pl.when(s == 0)
    def _():
        pltpu.sync_copy(zeros_hbm, acc)

    plsc.subcore_barrier()

    for i in range(CPT):
        ch = i * NW + wid

        @pl.when(ch < NCH)
        def _():
            sl = pl.ds(ch * CE, CE)
            pltpu.sync_copy(src_hbm.at[sl], src_v)
            pltpu.sync_copy(dst_hbm.at[sl], dst_v)
            pltpu.async_copy(diff_hbm.at[src_v], vals_v, sem).wait()
            pltpu.sync_copy(vals_v, acc.at[dst_v], add=True)

    plsc.subcore_barrier()

    @pl.when(s == 0)
    def _():
        pltpu.sync_copy(acc, out_hbm.at[c])


def _scan_body(part_ref, pi_ref, o_ref):
    p = part_ref[0, :] + part_ref[1, :]
    k = pi_ref[...]
    NEG = jnp.float32(-3.0e38)

    def shift_fwd(v, d, pad):
        return jnp.concatenate([jnp.full((d,), pad, v.dtype), v[:-d]])

    def shift_bwd(v, d, pad):
        return jnp.concatenate([v[d:], jnp.full((d,), pad, v.dtype)])

    def seg_scan(v, combine, pad, bwd=False):
        sh = shift_bwd if bwd else shift_fwd
        d = 1
        while d < N_PHASE:
            pv = sh(v, d, pad)
            pk = sh(k, d, jnp.int32(-1))
            v = jnp.where(pk == k, combine(v, pv), v)
            d *= 2
        return v

    segmax = jnp.maximum(
        seg_scan(p, jnp.maximum, NEG),
        seg_scan(p, jnp.maximum, NEG, bwd=True),
    )
    local = seg_scan(jnp.ones((N_PHASE,), jnp.int32), jnp.add, jnp.int32(0)) - 1
    cand = jnp.where(p == segmax, local, jnp.int32(N_PHASE))
    imax = jnp.int32(INT_MAX)
    o_ref[...] = jnp.minimum(
        seg_scan(cand, jnp.minimum, imax),
        seg_scan(cand, jnp.minimum, imax, bwd=True),
    )


def _seg_argmax(partials, phase_index):
    return pl.pallas_call(
        _scan_body,
        out_shape=jax.ShapeDtypeStruct((N_PHASE,), jnp.int32),
    )(partials, phase_index)


@functools.partial(
    pl.kernel,
    mesh=_sc_mesh,
    out_type=jax.ShapeDtypeStruct((N_INTER,), jnp.int32),
    scratch_types=[
        pltpu.VMEM((N_PHASE,), jnp.int32),
        pltpu.VMEM((N_PHASE,), jnp.int32),
        pltpu.VMEM((N_INTER,), jnp.int32),
    ],
)
def _compress(pi_hbm, sm_hbm, init_hbm, out_hbm, pi_v, sm_v, init_v):
    c = lax.axis_index("c")
    s = lax.axis_index("s")

    @pl.when((c == 0) & (s == 0))
    def _():
        pltpu.sync_copy(init_hbm, init_v)
        pltpu.sync_copy(init_v, out_hbm)
        pltpu.sync_copy(pi_hbm, pi_v)
        pltpu.sync_copy(sm_hbm, sm_v)
        pltpu.sync_copy(sm_v, out_hbm.at[pi_v])


@jax.jit
def kernel(x_movement, edge_src, edge_dst, phase_index):
    diff = _diff(x_movement.T)
    partials = _seg_sum(
        diff, edge_src, edge_dst, jnp.zeros((N_PHASE,), jnp.float32)
    )
    segmin = _seg_argmax(partials, phase_index)
    return _compress(
        phase_index, segmin, jnp.full((N_INTER,), INT_MAX, jnp.int32)
    )

# --- scband reference (transcript-rebuilt; emitter-appended) ---
"""Pipeline reference for scband-max-pressure-57724360458575 (READ-ONLY COPY).

The authoritative reference and input builder live on the scoring server;
editing this copy changes nothing except your own understanding.
"""

import jax, jax.numpy as jnp
import numpy as np

N_MOVEMENT = 100000
N_EDGE = 1600000
N_PHASE = 50000
N_INTER = 12500


def setup_inputs(seed: int = 0) -> dict:
    key = jax.random.key(seed)
    k1, k2, k3, k4 = jax.random.split(key, 4)
    x_movement = jax.random.normal(k1, (N_MOVEMENT, 2), dtype=jnp.float32)
    edge_src = jax.random.randint(k2, (N_EDGE,), 0, N_MOVEMENT, dtype=jnp.int32)
    edge_dst = jnp.sort(jax.random.randint(k3, (N_EDGE,), 0, N_PHASE, dtype=jnp.int32))
    phase_index = jnp.sort(jax.random.randint(k4, (N_PHASE,), 0, N_INTER, dtype=jnp.int32))
    return {"x_movement": x_movement, "edge_src": edge_src, "edge_dst": edge_dst, "phase_index": phase_index}


def reference(x_movement, edge_src, edge_dst, phase_index):
    # pressures = group_sum((x[:,0] - x[:,1])[edge_src], group_index=edge_dst)
    diff = x_movement[:, 0] - x_movement[:, 1]
    gathered = jnp.take(diff, edge_src, axis=0)
    pressures = jax.ops.segment_sum(gathered, edge_dst, num_segments=N_PHASE)
    # actions = group_argmax(pressures, index=phase_index) -> local argmax phase per intersection
    seg_max = jax.ops.segment_max(pressures, phase_index, num_segments=N_INTER)
    is_max = pressures == jnp.take(seg_max, phase_index, axis=0)
    # phase_index is sorted, so segment starts come from searchsorted
    starts = jnp.searchsorted(phase_index, jnp.arange(N_INTER, dtype=phase_index.dtype))
    local_pos = jnp.arange(N_PHASE, dtype=jnp.int32) - jnp.take(starts, phase_index, axis=0).astype(jnp.int32)
    cand = jnp.where(is_max, local_pos, jnp.int32(N_PHASE))
    actions = jax.ops.segment_min(cand, phase_index, num_segments=N_INTER)
    return actions

if __name__ == "__main__":
    import jax
    _d = setup_inputs()
    print(jax.jit(kernel)(*tuple(_d.values())))

</pallas_src>

<mosaic_0001>
#map = affine_map<(d0, d1) -> (0)>
module attributes {stable_mosaic.version = 14 : i64} {
  func.func @_compress(%arg0: i32, %arg1: i32, %arg2: memref<50000xi32, #tpu.memory_space<hbm>>, %arg3: memref<50000xi32, #tpu.memory_space<hbm>>, %arg4: memref<12500xi32, #tpu.memory_space<hbm>>, %arg5: memref<12500xi32, #tpu.memory_space<hbm>>, %arg6: memref<50000xi32, #tpu.memory_space<vmem>>, %arg7: memref<50000xi32, #tpu.memory_space<vmem>>, %arg8: memref<12500xi32, #tpu.memory_space<vmem>>) attributes {dimension_semantics = [#tpu.dimension_semantics<core_parallel>, #tpu.dimension_semantics<subcore_parallel>], iteration_bounds = array<i64: 2, 16>, scalar_prefetch = 0 : i64, scratch_operands = 3 : i64, tpu.core_type = #tpu.core_type<sc_vector_subcore>, window_params = [{transform_indices = #map}, {transform_indices = #map}, {transform_indices = #map}, {transform_indices = #map}]} {
    %eq3A = arith.constant 0 : i32
    %eq3A_0 = arith.cmpi eq, %arg0, %eq3A : i32
    %eq3A_1 = arith.constant 0 : i32
    %eq3A_2 = arith.cmpi eq, %arg1, %eq3A_1 : i32
    %and3A = arith.andi %eq3A_0, %eq3A_2 : i1
    %convert_element_type3A = arith.extui %and3A : i1 to i32
    %cond3A = arith.constant 0 : i32
    %cond3A_3 = arith.cmpi ne, %convert_element_type3A, %cond3A : i32
    scf.if %cond3A_3 {
      "tpu.region"() ({
        %run_scoped3A = tpu.sem_alloc : memref<!tpu.dma_semaphore, #tpu.memory_space<semaphore_mem>>
        tpu.enqueue_dma source(%arg4 : memref<12500xi32, #tpu.memory_space<hbm>>) target(%arg8 : memref<12500xi32, #tpu.memory_space<vmem>>) target_semaphore(%run_scoped3A : memref<!tpu.dma_semaphore, #tpu.memory_space<semaphore_mem>>)
        tpu.wait_dma2 semaphore(%run_scoped3A : memref<!tpu.dma_semaphore, #tpu.memory_space<semaphore_mem>>) src(%arg4 : memref<12500xi32, #tpu.memory_space<hbm>>) dst(%arg8 : memref<12500xi32, #tpu.memory_space<vmem>>)
        tpu.yield
      }) : () -> ()
      "tpu.region"() ({
        %run_scoped3A = tpu.sem_alloc : memref<!tpu.dma_semaphore, #tpu.memory_space<semaphore_mem>>
        tpu.enqueue_dma source(%arg8 : memref<12500xi32, #tpu.memory_space<vmem>>) target(%arg5 : memref<12500xi32, #tpu.memory_space<hbm>>) target_semaphore(%run_scoped3A : memref<!tpu.dma_semaphore, #tpu.memory_space<semaphore_mem>>)
        tpu.wait_dma2 semaphore(%run_scoped3A : memref<!tpu.dma_semaphore, #tpu.memory_space<semaphore_mem>>) src(%arg8 : memref<12500xi32, #tpu.memory_space<vmem>>) dst(%arg5 : memref<12500xi32, #tpu.memory_space<hbm>>)
        tpu.yield
      }) : () -> ()
      "tpu.region"() ({
        %run_scoped3A = tpu.sem_alloc : memref<!tpu.dma_semaphore, #tpu.memory_space<semaphore_mem>>
        tpu.enqueue_dma source(%arg2 : memref<50000xi32, #tpu.memory_space<hbm>>) target(%arg6 : memref<50000xi32, #tpu.memory_space<vmem>>) target_semaphore(%run_scoped3A : memref<!tpu.dma_semaphore, #tpu.memory_space<semaphore_mem>>)
        tpu.wait_dma2 semaphore(%run_scoped3A : memref<!tpu.dma_semaphore, #tpu.memory_space<semaphore_mem>>) src(%arg2 : memref<50000xi32, #tpu.memory_space<hbm>>) dst(%arg6 : memref<50000xi32, #tpu.memory_space<vmem>>)
        tpu.yield
      }) : () -> ()
      "tpu.region"() ({
        %run_scoped3A = tpu.sem_alloc : memref<!tpu.dma_semaphore, #tpu.memory_space<semaphore_mem>>
        tpu.enqueue_dma source(%arg3 : memref<50000xi32, #tpu.memory_space<hbm>>) target(%arg7 : memref<50000xi32, #tpu.memory_space<vmem>>) target_semaphore(%run_scoped3A : memref<!tpu.dma_semaphore, #tpu.memory_space<semaphore_mem>>)
        tpu.wait_dma2 semaphore(%run_scoped3A : memref<!tpu.dma_semaphore, #tpu.memory_space<semaphore_mem>>) src(%arg3 : memref<50000xi32, #tpu.memory_space<hbm>>) dst(%arg7 : memref<50000xi32, #tpu.memory_space<vmem>>)
        tpu.yield
      }) : () -> ()
      "tpu.region"() ({
        %run_scoped3A = tpu.sem_alloc : memref<!tpu.dma_semaphore, #tpu.memory_space<semaphore_mem>>
        %dma_start3A = arith.constant 0 : i32
        %dma_start3A_4 = tpu.memref_slice %arg5[%dma_start3A] : memref<12500xi32, #tpu.memory_space<hbm>> -> memref<12500xi32, #tpu.memory_space<hbm>>
        tpu.enqueue_indirect_dma source(%arg7 : memref<50000xi32, #tpu.memory_space<vmem>>) target(%dma_start3A_4 : memref<12500xi32, #tpu.memory_space<hbm>>) offsets(%arg6 : memref<50000xi32, #tpu.memory_space<vmem>>) semaphore(%run_scoped3A : memref<!tpu.dma_semaphore, #tpu.memory_space<semaphore_mem>>)
        %dma_wait3A = arith.constant 0 : i32
        %dma_wait3A_5 = tpu.memref_slice %arg5[%dma_wait3A] : memref<12500xi32, #tpu.memory_space<hbm>> -> memref<12500xi32, #tpu.memory_space<hbm>>
        tpu.wait_indirect_dma semaphore(%run_scoped3A : memref<!tpu.dma_semaphore, #tpu.memory_space<semaphore_mem>>) src(%arg7 : memref<50000xi32, #tpu.memory_space<vmem>>) dst(%dma_wait3A_5 : memref<12500xi32, #tpu.memory_space<hbm>>)
        tpu.yield
      }) : () -> ()
    } else {
    }
    return
  }
}

#map = affine_map<(d0, d1) -> (0)>
#map1 = affine_map<(d0, d1) -> (0, 0)>
module attributes {stable_mosaic.version = 14 : i64} {
  func.func @_seg_sum(%arg0: i32, %arg1: i32, %arg2: memref<100000xf32, #tpu.memory_space<hbm>>, %arg3: memref<1600000xi32, #tpu.memory_space<hbm>>, %arg4: memref<1600000xi32, #tpu.memory_space<hbm>>, %arg5: memref<50000xf32, #tpu.memory_space<hbm>>, %arg6: memref<2x50000xf32, #tpu.memory_space<hbm>>, %arg7: memref<12800xi32, #tpu.memory_space<vmem>>, %arg8: memref<12800xi32, #tpu.memory_space<vmem>>, %arg9: memref<12800xf32, #tpu.memory_space<vmem>>, %arg10: memref<50000xf32, #tpu.memory_space<vmem_shared>>, %arg11: memref<!tpu.dma_semaphore, #tpu.memory_space<semaphore_mem>>) attributes {dimension_semantics = [#tpu.dimension_semantics<core_parallel>, #tpu.dimension_semantics<subcore_parallel>], iteration_bounds = array<i64: 2, 16>, scalar_prefetch = 0 : i64, scratch_operands = 5 : i64, tpu.core_type = #tpu.core_type<sc_vector_subcore>, window_params = [{transform_indices = #map}, {transform_indices = #map}, {transform_indices = #map}, {transform_indices = #map}, {transform_indices = #map1}]} {
    %mul3A = arith.constant 16 : i32
    %mul3A_0 = arith.muli %arg0, %mul3A : i32
    %add3A = arith.addi %mul3A_0, %arg1 : i32
    %eq3A = arith.constant 0 : i32
    %eq3A_1 = arith.cmpi eq, %arg1, %eq3A : i32
    %convert_element_type3A = arith.extui %eq3A_1 : i1 to i32
    %cond3A = arith.constant 0 : i32
    %cond3A_2 = arith.cmpi ne, %convert_element_type3A, %cond3A : i32
    scf.if %cond3A_2 {
      "tpu.region"() ({
        %run_scoped3A = tpu.sem_alloc : memref<!tpu.dma_semaphore, #tpu.memory_space<semaphore_mem>>
        tpu.enqueue_dma source(%arg5 : memref<50000xf32, #tpu.memory_space<hbm>>) target(%arg10 : memref<50000xf32, #tpu.memory_space<vmem_shared>>) target_semaphore(%run_scoped3A : memref<!tpu.dma_semaphore, #tpu.memory_space<semaphore_mem>>)
        tpu.wait_dma2 semaphore(%run_scoped3A : memref<!tpu.dma_semaphore, #tpu.memory_space<semaphore_mem>>) src(%arg5 : memref<50000xf32, #tpu.memory_space<hbm>>) dst(%arg10 : memref<50000xf32, #tpu.memory_space<vmem_shared>>)
        tpu.yield
      }) : () -> ()
    } else {
    }
    %barrier3A = arith.constant 0 : index
    tpu.barrier barrier_id(%barrier3A)
    %add3A_3 = arith.constant 0 : i32
    %add3A_4 = arith.addi %add3A_3, %add3A : i32
    %lt3A = arith.constant 125 : i32
    %lt3A_5 = arith.cmpi slt, %add3A_4, %lt3A : i32
    %convert_element_type3A_6 = arith.extui %lt3A_5 : i1 to i32
    %cond3A_7 = arith.constant 0 : i32
    %cond3A_8 = arith.cmpi ne, %convert_element_type3A_6, %cond3A_7 : i32
    scf.if %cond3A_8 {
      %mul3A_36 = arith.constant 12800 : i32
      %mul3A_37 = arith.muli %add3A_4, %mul3A_36 : i32
      "tpu.region"() ({
        %run_scoped3A = tpu.sem_alloc : memref<!tpu.dma_semaphore, #tpu.memory_space<semaphore_mem>>
        %dma_start3A_40 = tpu.memref_slice %arg3[%mul3A_37] : memref<1600000xi32, #tpu.memory_space<hbm>> -> memref<12800xi32, #tpu.memory_space<hbm>>
        %dma_start3A_41 = tpu.memref_slice %arg3[%mul3A_37] : memref<1600000xi32, #tpu.memory_space<hbm>> -> memref<12800xi32, #tpu.memory_space<hbm>>
        tpu.enqueue_dma source(%dma_start3A_41 : memref<12800xi32, #tpu.memory_space<hbm>>) target(%arg7 : memref<12800xi32, #tpu.memory_space<vmem>>) target_semaphore(%run_scoped3A : memref<!tpu.dma_semaphore, #tpu.memory_space<semaphore_mem>>)
        %dma_wait3A_42 = tpu.memref_slice %arg3[%mul3A_37] : memref<1600000xi32, #tpu.memory_space<hbm>> -> memref<12800xi32, #tpu.memory_space<hbm>>
        %dma_wait3A_43 = tpu.memref_slice %arg3[%mul3A_37] : memref<1600000xi32, #tpu.memory_space<hbm>> -> memref<12800xi32, #tpu.memory_space<hbm>>
        tpu.wait_dma2 semaphore(%run_scoped3A : memref<!tpu.dma_semaphore, #tpu.memory_space<semaphore_mem>>) src(%dma_wait3A_43 : memref<12800xi32, #tpu.memory_space<hbm>>) dst(%arg7 : memref<12800xi32, #tpu.memory_space<vmem>>)
        tpu.yield
      }) : () -> ()
      "tpu.region"() ({
        %run_scoped3A = tpu.sem_alloc : memref<!tpu.dma_semaphore, #tpu.memory_space<semaphore_mem>>
        %dma_start3A_40 = tpu.memref_slice %arg4[%mul3A_37] : memref<1600000xi32, #tpu.memory_space<hbm>> -> memref<12800xi32, #tpu.memory_space<hbm>>
        %dma_start3A_41 = tpu.memref_slice %arg4[%mul3A_37] : memref<1600000xi32, #tpu.memory_space<hbm>> -> memref<12800xi32, #tpu.memory_space<hbm>>
        tpu.enqueue_dma source(%dma_start3A_41 : memref<12800xi32, #tpu.memory_space<hbm>>) target(%arg8 : memref<12800xi32, #tpu.memory_space<vmem>>) target_semaphore(%run_scoped3A : memref<!tpu.dma_semaphore, #tpu.memory_space<semaphore_mem>>)
        %dma_wait3A_42 = tpu.memref_slice %arg4[%mul3A_37] : memref<1600000xi32, #tpu.memory_space<hbm>> -> memref<12800xi32, #tpu.memory_space<hbm>>
        %dma_wait3A_43 = tpu.memref_slice %arg4[%mul3A_37] : memref<1600000xi32, #tpu.memory_space<hbm>> -> memref<12800xi32, #tpu.memory_space<hbm>>
        tpu.wait_dma2 semaphore(%run_scoped3A : memref<!tpu.dma_semaphore, #tpu.memory_space<semaphore_mem>>) src(%dma_wait3A_43 : memref<12800xi32, #tpu.memory_space<hbm>>) dst(%arg8 : memref<12800xi32, #tpu.memory_space<vmem>>)
        tpu.yield
      }) : () -> ()
      %dma_start3A = arith.constant 0 : i32
      %dma_start3A_38 = tpu.memref_slice %arg2[%dma_start3A] : memref<100000xf32, #tpu.memory_space<hbm>> -> memref<100000xf32, #tpu.memory_space<hbm>>
      tpu.enqueue_indirect_dma source(%dma_start3A_38 : memref<100000xf32, #tpu.memory_space<hbm>>) target(%arg9 : memref<12800xf32, #tpu.memory_space<vmem>>) offsets(%arg7 : memref<12800xi32, #tpu.memory_space<vmem>>) semaphore(%arg11 : memref<!tpu.dma_semaphore, #tpu.memory_space<semaphore_mem>>)
      %dma_wait3A = arith.constant 0 : i32
      %dma_wait3A_39 = tpu.memref_slice %arg2[%dma_wait3A] : memref<100000xf32, #tpu.memory_space<hbm>> -> memref<100000xf32, #tpu.memory_space<hbm>>
      tpu.wait_indirect_dma semaphore(%arg11 : memref<!tpu.dma_semaphore, #tpu.memory_space<semaphore_mem>>) src(%dma_wait3A_39 : memref<100000xf32, #tpu.memory_space<hbm>>) dst(%arg9 : memref<12800xf32, #tpu.memory_space<vmem>>)
      "tpu.region"() ({
        %run_scoped3A = tpu.sem_alloc : memref<!tpu.dma_semaphore, #tpu.memory_space<semaphore_mem>>
        %dma_start3A_40 = arith.constant 0 : i32
        %dma_start3A_41 = tpu.memref_slice %arg10[%dma_start3A_40] : memref<50000xf32, #tpu.memory_space<vmem_shared>> -> memref<50000xf32, #tpu.memory_space<vmem_shared>>
        tpu.enqueue_indirect_dma source(%arg9 : memref<12800xf32, #tpu.memory_space<vmem>>) target(%dma_start3A_41 : memref<50000xf32, #tpu.memory_space<vmem_shared>>) offsets(%arg8 : memref<12800xi32, #tpu.memory_space<vmem>>) semaphore(%run_scoped3A : memref<!tpu.dma_semaphore, #tpu.memory_space<semaphore_mem>>) {add = true}
        %dma_wait3A_42 = arith.constant 0 : i32
        %dma_wait3A_43 = tpu.memref_slice %arg10[%dma_wait3A_42] : memref<50000xf32, #tpu.memory_space<vmem_shared>> -> memref<50000xf32, #tpu.memory_space<vmem_shared>>
        tpu.wait_indirect_dma semaphore(%run_scoped3A : memref<!tpu.dma_semaphore, #tpu.memory_space<semaphore_mem>>) src(%arg9 : memref<12800xf32, #tpu.memory_space<vmem>>) dst(%dma_wait3A_43 : memref<50000xf32, #tpu.memory_space<vmem_shared>>)
        tpu.yield
      }) : () -> ()
    } else {
    }
    %add3A_9 = arith.constant 32 : i32
    %add3A_10 = arith.addi %add3A_9, %add3A : i32
    %lt3A_11 = arith.constant 125 : i32
    %lt3A_12 = arith.cmpi slt, %add3A_10, %lt3A_11 : i32
    %convert_element_type3A_13 = arith.extui %lt3A_12 : i1 to i32
    %cond3A_14 = arith.constant 0 : i32
    %cond3A_15 = arith.cmpi ne, %convert_element_type3A_13, %cond3A_14 : i32
    scf.if %cond3A_15 {
      %mul3A_36 = arith.constant 12800 : i32
      %mul3A_37 = arith.muli %add3A_10, %mul3A_36 : i32
      "tpu.region"() ({
        %run_scoped3A = tpu.sem_alloc : memref<!tpu.dma_semaphore, #tpu.memory_space<semaphore_mem>>
        %dma_start3A_40 = tpu.memref_slice %arg3[%mul3A_37] : memref<1600000xi32, #tpu.memory_space<hbm>> -> memref<12800xi32, #tpu.memory_space<hbm>>
        %dma_start3A_41 = tpu.memref_slice %arg3[%mul3A_37] : memref<1600000xi32, #tpu.memory_space<hbm>> -> memref<12800xi32, #tpu.memory_space<hbm>>
        tpu.enqueue_dma source(%dma_start3A_41 : memref<12800xi32, #tpu.memory_space<hbm>>) target(%arg7 : memref<12800xi32, #tpu.memory_space<vmem>>) target_semaphore(%run_scoped3A : memref<!tpu.dma_semaphore, #tpu.memory_space<semaphore_mem>>)
        %dma_wait3A_42 = tpu.memref_slice %arg3[%mul3A_37] : memref<1600000xi32, #tpu.memory_space<hbm>> -> memref<12800xi32, #tpu.memory_space<hbm>>
        %dma_wait3A_43 = tpu.memref_slice %arg3[%mul3A_37] : memref<1600000xi32, #tpu.memory_space<hbm>> -> memref<12800xi32, #tpu.memory_space<hbm>>
        tpu.wait_dma2 semaphore(%run_scoped3A : memref<!tpu.dma_semaphore, #tpu.memory_space<semaphore_mem>>) src(%dma_wait3A_43 : memref<12800xi32, #tpu.memory_space<hbm>>) dst(%arg7 : memref<12800xi32, #tpu.memory_space<vmem>>)
        tpu.yield
      }) : () -> ()
      "tpu.region"() ({
        %run_scoped3A = tpu.sem_alloc : memref<!tpu.dma_semaphore, #tpu.memory_space<semaphore_mem>>
        %dma_start3A_40 = tpu.memref_slice %arg4[%mul3A_37] : memref<1600000xi32, #tpu.memory_space<hbm>> -> memref<12800xi32, #tpu.memory_space<hbm>>
        %dma_start3A_41 = tpu.memref_slice %arg4[%mul3A_37] : memref<1600000xi32, #tpu.memory_space<hbm>> -> memref<12800xi32, #tpu.memory_space<hbm>>
        tpu.enqueue_dma source(%dma_start3A_41 : memref<12800xi32, #tpu.memory_space<hbm>>) target(%arg8 : memref<12800xi32, #tpu.memory_space<vmem>>) target_semaphore(%run_scoped3A : memref<!tpu.dma_semaphore, #tpu.memory_space<semaphore_mem>>)
        %dma_wait3A_42 = tpu.memref_slice %arg4[%mul3A_37] : memref<1600000xi32, #tpu.memory_space<hbm>> -> memref<12800xi32, #tpu.memory_space<hbm>>
        %dma_wait3A_43 = tpu.memref_slice %arg4[%mul3A_37] : memref<1600000xi32, #tpu.memory_space<hbm>> -> memref<12800xi32, #tpu.memory_space<hbm>>
        tpu.wait_dma2 semaphore(%run_scoped3A : memref<!tpu.dma_semaphore, #tpu.memory_space<semaphore_mem>>) src(%dma_wait3A_43 : memref<12800xi32, #tpu.memory_space<hbm>>) dst(%arg8 : memref<12800xi32, #tpu.memory_space<vmem>>)
        tpu.yield
      }) : () -> ()
      %dma_start3A = arith.constant 0 : i32
      %dma_start3A_38 = tpu.memref_slice %arg2[%dma_start3A] : memref<100000xf32, #tpu.memory_space<hbm>> -> memref<100000xf32, #tpu.memory_space<hbm>>
      tpu.enqueue_indirect_dma source(%dma_start3A_38 : memref<100000xf32, #tpu.memory_space<hbm>>) target(%arg9 : memref<12800xf32, #tpu.memory_space<vmem>>) offsets(%arg7 : memref<12800xi32, #tpu.memory_space<vmem>>) semaphore(%arg11 : memref<!tpu.dma_semaphore, #tpu.memory_space<semaphore_mem>>)
      %dma_wait3A = arith.constant 0 : i32
      %dma_wait3A_39 = tpu.memref_slice %arg2[%dma_wait3A] : memref<100000xf32, #tpu.memory_space<hbm>> -> memref<100000xf32, #tpu.memory_space<hbm>>
      tpu.wait_indirect_dma semaphore(%arg11 : memref<!tpu.dma_semaphore, #tpu.memory_space<semaphore_mem>>) src(%dma_wait3A_39 : memref<100000xf32, #tpu.memory_space<hbm>>) dst(%arg9 : memref<12800xf32, #tpu.memory_space<vmem>>)
      "tpu.region"() ({
        %run_scoped3A = tpu.sem_alloc : memref<!tpu.dma_semaphore, #tpu.memory_space<semaphore_mem>>
        %dma_start3A_40 = arith.constant 0 : i32
        %dma_start3A_41 = tpu.memref_slice %arg10[%dma_start3A_40] : memref<50000xf32, #tpu.memory_space<vmem_shared>> -> memref<50000xf32, #tpu.memory_space<vmem_shared>>
        tpu.enqueue_indirect_dma source(%arg9 : memref<12800xf32, #tpu.memory_space<vmem>>) target(%dma_start3A_41 : memref<50000xf32, #tpu.memory_space<vmem_shared>>) offsets(%arg8 : memref<12800xi32, #tpu.memory_space<vmem>>) semaphore(%run_scoped3A : memref<!tpu.dma_semaphore, #tpu.memory_space<semaphore_mem>>) {add = true}
        %dma_wait3A_42 = arith.constant 0 : i32
        %dma_wait3A_43 = tpu.memref_slice %arg10[%dma_wait3A_42] : memref<50000xf32, #tpu.memory_space<vmem_shared>> -> memref<50000xf32, #tpu.memory_space<vmem_shared>>
        tpu.wait_indirect_dma semaphore(%run_scoped3A : memref<!tpu.dma_semaphore, #tpu.memory_space<semaphore_mem>>) src(%arg9 : memref<12800xf32, #tpu.memory_space<vmem>>) dst(%dma_wait3A_43 : memref<50000xf32, #tpu.memory_space<vmem_shared>>)
        tpu.yield
      }) : () -> ()
    } else {
    }
    %add3A_16 = arith.constant 64 : i32
    %add3A_17 = arith.addi %add3A_16, %add3A : i32
    %lt3A_18 = arith.constant 125 : i32
    %lt3A_19 = arith.cmpi slt, %add3A_17, %lt3A_18 : i32
    %convert_element_type3A_20 = arith.extui %lt3A_19 : i1 to i32
    %cond3A_21 = arith.constant 0 : i32
    %cond3A_22 = arith.cmpi ne, %convert_element_type3A_20, %cond3A_21 : i32
    scf.if %cond3A_22 {
      %mul3A_36 = arith.constant 12800 : i32
      %mul3A_37 = arith.muli %add3A_17, %mul3A_36 : i32
      "tpu.region"() ({
        %run_scoped3A = tpu.sem_alloc : memref<!tpu.dma_semaphore, #tpu.memory_space<semaphore_mem>>
        %dma_start3A_40 = tpu.memref_slice %arg3[%mul3A_37] : memref<1600000xi32, #tpu.memory_space<hbm>> -> memref<12800xi32, #tpu.memory_space<hbm>>
        %dma_start3A_41 = tpu.memref_slice %arg3[%mul3A_37] : memref<1600000xi32, #tpu.memory_space<hbm>> -> memref<12800xi32, #tpu.memory_space<hbm>>
        tpu.enqueue_dma source(%dma_start3A_41 : memref<12800xi32, #tpu.memory_space<hbm>>) target(%arg7 : memref<12800xi32, #tpu.memory_space<vmem>>) target_semaphore(%run_scoped3A : memref<!tpu.dma_semaphore, #tpu.memory_space<semaphore_mem>>)
        %dma_wait3A_42 = tpu.memref_slice %arg3[%mul3A_37] : memref<1600000xi32, #tpu.memory_space<hbm>> -> memref<12800xi32, #tpu.memory_space<hbm>>
        %dma_wait3A_43 = tpu.memref_slice %arg3[%mul3A_37] : memref<1600000xi32, #tpu.memory_space<hbm>> -> memref<12800xi32, #tpu.memory_space<hbm>>
        tpu.wait_dma2 semaphore(%run_scoped3A : memref<!tpu.dma_semaphore, #tpu.memory_space<semaphore_mem>>) src(%dma_wait3A_43 : memref<12800xi32, #tpu.memory_space<hbm>>) dst(%arg7 : memref<12800xi32, #tpu.memory_space<vmem>>)
        tpu.yield
      }) : () -> ()
      "tpu.region"() ({
        %run_scoped3A = tpu.sem_alloc : memref<!tpu.dma_semaphore, #tpu.memory_space<semaphore_mem>>
        %dma_start3A_40 = tpu.memref_slice %arg4[%mul3A_37] : memref<1600000xi32, #tpu.memory_space<hbm>> -> memref<12800xi32, #tpu.memory_space<hbm>>
        %dma_start3A_41 = tpu.memref_slice %arg4[%mul3A_37] : memref<1600000xi32, #tpu.memory_space<hbm>> -> memref<12800xi32, #tpu.memory_space<hbm>>
        tpu.enqueue_dma source(%dma_start3A_41 : memref<12800xi32, #tpu.memory_space<hbm>>) target(%arg8 : memref<12800xi32, #tpu.memory_space<vmem>>) target_semaphore(%run_scoped3A : memref<!tpu.dma_semaphore, #tpu.memory_space<semaphore_mem>>)
        %dma_wait3A_42 = tpu.memref_slice %arg4[%mul3A_37] : memref<1600000xi32, #tpu.memory_space<hbm>> -> memref<12800xi32, #tpu.memory_space<hbm>>
        %dma_wait3A_43 = tpu.memref_slice %arg4[%mul3A_37] : memref<1600000xi32, #tpu.memory_space<hbm>> -> memref<12800xi32, #tpu.memory_space<hbm>>
        tpu.wait_dma2 semaphore(%run_scoped3A : memref<!tpu.dma_semaphore, #tpu.memory_space<semaphore_mem>>) src(%dma_wait3A_43 : memref<12800xi32, #tpu.memory_space<hbm>>) dst(%arg8 : memref<12800xi32, #tpu.memory_space<vmem>>)
        tpu.yield
      }) : () -> ()
      %dma_start3A = arith.constant 0 : i32
      %dma_start3A_38 = tpu.memref_slice %arg2[%dma_start3A] : memref<100000xf32, #tpu.memory_space<hbm>> -> memref<100000xf32, #tpu.memory_space<hbm>>
      tpu.enqueue_indirect_dma source(%dma_start3A_38 : memref<100000xf32, #tpu.memory_space<hbm>>) target(%arg9 : memref<12800xf32, #tpu.memory_space<vmem>>) offsets(%arg7 : memref<12800xi32, #tpu.memory_space<vmem>>) semaphore(%arg11 : memref<!tpu.dma_semaphore, #tpu.memory_space<semaphore_mem>>)
      %dma_wait3A = arith.constant 0 : i32
      %dma_wait3A_39 = tpu.memref_slice %arg2[%dma_wait3A] : memref<100000xf32, #tpu.memory_space<hbm>> -> memref<100000xf32, #tpu.memory_space<hbm>>
      tpu.wait_indirect_dma semaphore(%arg11 : memref<!tpu.dma_semaphore, #tpu.memory_space<semaphore_mem>>) src(%dma_wait3A_39 : memref<100000xf32, #tpu.memory_space<hbm>>) dst(%arg9 : memref<12800xf32, #tpu.memory_space<vmem>>)
      "tpu.region"() ({
        %run_scoped3A = tpu.sem_alloc : memref<!tpu.dma_semaphore, #tpu.memory_space<semaphore_mem>>
        %dma_start3A_40 = arith.constant 0 : i32
        %dma_start3A_41 = tpu.memref_slice %arg10[%dma_start3A_40] : memref<50000xf32, #tpu.memory_space<vmem_shared>> -> memref<50000xf32, #tpu.memory_space<vmem_shared>>
        tpu.enqueue_indirect_dma source(%arg9 : memref<12800xf32, #tpu.memory_space<vmem>>) target(%dma_start3A_41 : memref<50000xf32, #tpu.memory_space<vmem_shared>>) offsets(%arg8 : memref<12800xi32, #tpu.memory_space<vmem>>) semaphore(%run_scoped3A : memref<!tpu.dma_semaphore, #tpu.memory_space<semaphore_mem>>) {add = true}
        %dma_wait3A_42 = arith.constant 0 : i32
        %dma_wait3A_43 = tpu.memref_slice %arg10[%dma_wait3A_42] : memref<50000xf32, #tpu.memory_space<vmem_shared>> -> memref<50000xf32, #tpu.memory_space<vmem_shared>>
        tpu.wait_indirect_dma semaphore(%run_scoped3A : memref<!tpu.dma_semaphore, #tpu.memory_space<semaphore_mem>>) src(%arg9 : memref<12800xf32, #tpu.memory_space<vmem>>) dst(%dma_wait3A_43 : memref<50000xf32, #tpu.memory_space<vmem_shared>>)
        tpu.yield
      }) : () -> ()
    } else {
    }
    %add3A_23 = arith.constant 96 : i32
    %add3A_24 = arith.addi %add3A_23, %add3A : i32
    %lt3A_25 = arith.constant 125 : i32
    %lt3A_26 = arith.cmpi slt, %add3A_24, %lt3A_25 : i32
    %convert_element_type3A_27 = arith.extui %lt3A_26 : i1 to i32
    %cond3A_28 = arith.constant 0 : i32
    %cond3A_29 = arith.cmpi ne, %convert_element_type3A_27, %cond3A_28 : i32
    scf.if %cond3A_29 {
      %mul3A_36 = arith.constant 12800 : i32
      %mul3A_37 = arith.muli %add3A_24, %mul3A_36 : i32
      "tpu.region"() ({
        %run_scoped3A = tpu.sem_alloc : memref<!tpu.dma_semaphore, #tpu.memory_space<semaphore_mem>>
        %dma_start3A_40 = tpu.memref_slice %arg3[%mul3A_37] : memref<1600000xi32, #tpu.memory_space<hbm>> -> memref<12800xi32, #tpu.memory_space<hbm>>
        %dma_start3A_41 = tpu.memref_slice %arg3[%mul3A_37] : memref<1600000xi32, #tpu.memory_space<hbm>> -> memref<12800xi32, #tpu.memory_space<hbm>>
        tpu.enqueue_dma source(%dma_start3A_41 : memref<12800xi32, #tpu.memory_space<hbm>>) target(%arg7 : memref<12800xi32, #tpu.memory_space<vmem>>) target_semaphore(%run_scoped3A : memref<!tpu.dma_semaphore, #tpu.memory_space<semaphore_mem>>)
        %dma_wait3A_42 = tpu.memref_slice %arg3[%mul3A_37] : memref<1600000xi32, #tpu.memory_space<hbm>> -> memref<12800xi32, #tpu.memory_space<hbm>>
        %dma_wait3A_43 = tpu.memref_slice %arg3[%mul3A_37] : memref<1600000xi32, #tpu.memory_space<hbm>> -> memref<12800xi32, #tpu.memory_space<hbm>>
        tpu.wait_dma2 semaphore(%run_scoped3A : memref<!tpu.dma_semaphore, #tpu.memory_space<semaphore_mem>>) src(%dma_wait3A_43 : memref<12800xi32, #tpu.memory_space<hbm>>) dst(%arg7 : memref<12800xi32, #tpu.memory_space<vmem>>)
        tpu.yield
      }) : () -> ()
      "tpu.region"() ({
        %run_scoped3A = tpu.sem_alloc : memref<!tpu.dma_semaphore, #tpu.memory_space<semaphore_mem>>
        %dma_start3A_40 = tpu.memref_slice %arg4[%mul3A_37] : memref<1600000xi32, #tpu.memory_space<hbm>> -> memref<12800xi32, #tpu.memory_space<hbm>>
        %dma_start3A_41 = tpu.memref_slice %arg4[%mul3A_37] : memref<1600000xi32, #tpu.memory_space<hbm>> -> memref<12800xi32, #tpu.memory_space<hbm>>
        tpu.enqueue_dma source(%dma_start3A_41 : memref<12800xi32, #tpu.memory_space<hbm>>) target(%arg8 : memref<12800xi32, #tpu.memory_space<vmem>>) target_semaphore(%run_scoped3A : memref<!tpu.dma_semaphore, #tpu.memory_space<semaphore_mem>>)
        %dma_wait3A_42 = tpu.memref_slice %arg4[%mul3A_37] : memref<1600000xi32, #tpu.memory_space<hbm>> -> memref<12800xi32, #tpu.memory_space<hbm>>
        %dma_wait3A_43 = tpu.memref_slice %arg4[%mul3A_37] : memref<1600000xi32, #tpu.memory_space<hbm>> -> memref<12800xi32, #tpu.memory_space<hbm>>
        tpu.wait_dma2 semaphore(%run_scoped3A : memref<!tpu.dma_semaphore, #tpu.memory_space<semaphore_mem>>) src(%dma_wait3A_43 : memref<12800xi32, #tpu.memory_space<hbm>>) dst(%arg8 : memref<12800xi32, #tpu.memory_space<vmem>>)
        tpu.yield
      }) : () -> ()
      %dma_start3A = arith.constant 0 : i32
      %dma_start3A_38 = tpu.memref_slice %arg2[%dma_start3A] : memref<100000xf32, #tpu.memory_space<hbm>> -> memref<100000xf32, #tpu.memory_space<hbm>>
      tpu.enqueue_indirect_dma source(%dma_start3A_38 : memref<100000xf32, #tpu.memory_space<hbm>>) target(%arg9 : memref<12800xf32, #tpu.memory_space<vmem>>) offsets(%arg7 : memref<12800xi32, #tpu.memory_space<vmem>>) semaphore(%arg11 : memref<!tpu.dma_semaphore, #tpu.memory_space<semaphore_mem>>)
      %dma_wait3A = arith.constant 0 : i32
      %dma_wait3A_39 = tpu.memref_slice %arg2[%dma_wait3A] : memref<100000xf32, #tpu.memory_space<hbm>> -> memref<100000xf32, #tpu.memory_space<hbm>>
      tpu.wait_indirect_dma semaphore(%arg11 : memref<!tpu.dma_semaphore, #tpu.memory_space<semaphore_mem>>) src(%dma_wait3A_39 : memref<100000xf32, #tpu.memory_space<hbm>>) dst(%arg9 : memref<12800xf32, #tpu.memory_space<vmem>>)
      "tpu.region"() ({
        %run_scoped3A = tpu.sem_alloc : memref<!tpu.dma_semaphore, #tpu.memory_space<semaphore_mem>>
        %dma_start3A_40 = arith.constant 0 : i32
        %dma_start3A_41 = tpu.memref_slice %arg10[%dma_start3A_40] : memref<50000xf32, #tpu.memory_space<vmem_shared>> -> memref<50000xf32, #tpu.memory_space<vmem_shared>>
        tpu.enqueue_indirect_dma source(%arg9 : memref<12800xf32, #tpu.memory_space<vmem>>) target(%dma_start3A_41 : memref<50000xf32, #tpu.memory_space<vmem_shared>>) offsets(%arg8 : memref<12800xi32, #tpu.memory_space<vmem>>) semaphore(%run_scoped3A : memref<!tpu.dma_semaphore, #tpu.memory_space<semaphore_mem>>) {add = true}
        %dma_wait3A_42 = arith.constant 0 : i32
        %dma_wait3A_43 = tpu.memref_slice %arg10[%dma_wait3A_42] : memref<50000xf32, #tpu.memory_space<vmem_shared>> -> memref<50000xf32, #tpu.memory_space<vmem_shared>>
        tpu.wait_indirect_dma semaphore(%run_scoped3A : memref<!tpu.dma_semaphore, #tpu.memory_space<semaphore_mem>>) src(%arg9 : memref<12800xf32, #tpu.memory_space<vmem>>) dst(%dma_wait3A_43 : memref<50000xf32, #tpu.memory_space<vmem_shared>>)
        tpu.yield
      }) : () -> ()
    } else {
    }
    %barrier3A_30 = arith.constant 0 : index
    tpu.barrier barrier_id(%barrier3A_30)
    %eq3A_31 = arith.constant 0 : i32
    %eq3A_32 = arith.cmpi eq, %arg1, %eq3A_31 : i32
    %convert_element_type3A_33 = arith.extui %eq3A_32 : i1 to i32
    %cond3A_34 = arith.constant 0 : i32
    %cond3A_35 = arith.cmpi ne, %convert_element_type3A_33, %cond3A_34 : i32
    scf.if %cond3A_35 {
      "tpu.region"() ({
        %run_scoped3A = tpu.sem_alloc : memref<!tpu.dma_semaphore, #tpu.memory_space<semaphore_mem>>
        %dma_start3A = arith.constant 0 : i32
        %dma_start3A_36 = tpu.memref_slice %arg6[%arg0, %dma_start3A] : memref<2x50000xf32, #tpu.memory_space<hbm>> -> memref<1x50000xf32, #tpu.memory_space<hbm>>
        %dma_start3A_37 = tpu.memref_squeeze %dma_start3A_36 : memref<1x50000xf32, #tpu.memory_space<hbm>> -> memref<50000xf32, #tpu.memory_space<hbm>>
        tpu.enqueue_dma source(%arg10 : memref<50000xf32, #tpu.memory_space<vmem_shared>>) target(%dma_start3A_37 : memref<50000xf32, #tpu.memory_space<hbm>>) target_semaphore(%run_scoped3A : memref<!tpu.dma_semaphore, #tpu.memory_space<semaphore_mem>>)
        %dma_wait3A = arith.constant 0 : i32
        %dma_wait3A_38 = tpu.memref_slice %arg6[%arg0, %dma_wait3A] : memref<2x50000xf32, #tpu.memory_space<hbm>> -> memref<1x50000xf32, #tpu.memory_space<hbm>>
        %dma_wait3A_39 = tpu.memref_squeeze %dma_wait3A_38 : memref<1x50000xf32, #tpu.memory_space<hbm>> -> memref<50000xf32, #tpu.memory_space<hbm>>
        tpu.wait_dma2 semaphore(%run_scoped3A : memref<!tpu.dma_semaphore, #tpu.memory_space<semaphore_mem>>) src(%arg10 : memref<50000xf32, #tpu.memory_space<vmem_shared>>) dst(%dma_wait3A_39 : memref<50000xf32, #tpu.memory_space<hbm>>)
        tpu.yield
      }) : () -> ()
    } else {
    }
    return
  }
}

module attributes {stable_mosaic.version = 14 : i64} {
  func.func @_diff_body(%arg0: memref<2x100000xf32, #tpu.memory_space<vmem>>, %arg1: memref<100000xf32, #tpu.memory_space<vmem>>) attributes {dimension_semantics = [], scalar_prefetch = 0 : i64, scratch_operands = 0 : i64, tpu.core_type = #tpu.core_type<tc>} {
    %get3A = arith.constant 0 : index
    %get3A_0 = arith.constant 0 : index
    %get3A_1 = vector.load %arg0[%get3A, %get3A_0] : memref<2x100000xf32, #tpu.memory_space<vmem>>, vector<1x100000xf32>
    %get3A_2 = vector.shape_cast %get3A_1 : vector<1x100000xf32> to vector<100000xf32>
    %get3A_3 = arith.constant 1 : index
    %get3A_4 = arith.constant 0 : index
    %get3A_5 = vector.load %arg0[%get3A_3, %get3A_4] : memref<2x100000xf32, #tpu.memory_space<vmem>>, vector<1x100000xf32>
    %get3A_6 = vector.shape_cast %get3A_5 : vector<1x100000xf32> to vector<100000xf32>
    %sub3A = arith.subf %get3A_2, %get3A_6 : vector<100000xf32>
    %swap3A = arith.constant 0 : index
    %swap3A_7 = vector.load %arg1[%swap3A] : memref<100000xf32, #tpu.memory_space<vmem>>, vector<100000xf32>
    tpu.vector_store %arg1[%swap3A], %sub3A {strides = array<i32>} : memref<100000xf32, #tpu.memory_space<vmem>>, vector<100000xf32>,
    return
  }
}

module attributes {stable_mosaic.version = 14 : i64} {
  func.func @_scan_body(%arg0: memref<2x50000xf32, #tpu.memory_space<vmem>>, %arg1: memref<50000xi32, #tpu.memory_space<vmem>>, %arg2: memref<50000xi32, #tpu.memory_space<vmem>>) attributes {dimension_semantics = [], scalar_prefetch = 0 : i64, scratch_operands = 0 : i64, tpu.core_type = #tpu.core_type<tc>} {
    %get3A = arith.constant 0 : index
    %get3A_0 = arith.constant 0 : index
    %get3A_1 = vector.load %arg0[%get3A, %get3A_0] : memref<2x50000xf32, #tpu.memory_space<vmem>>, vector<1x50000xf32>
    %get3A_2 = vector.shape_cast %get3A_1 : vector<1x50000xf32> to vector<50000xf32>
    %get3A_3 = arith.constant 1 : index
    %get3A_4 = arith.constant 0 : index
    %get3A_5 = vector.load %arg0[%get3A_3, %get3A_4] : memref<2x50000xf32, #tpu.memory_space<vmem>>, vector<1x50000xf32>
    %get3A_6 = vector.shape_cast %get3A_5 : vector<1x50000xf32> to vector<50000xf32>
    %add3A = arith.addf %get3A_2, %get3A_6 : vector<50000xf32>
    %get3A_7 = arith.constant 0 : index
    %get3A_8 = vector.load %arg1[%get3A_7] : memref<50000xi32, #tpu.memory_space<vmem>>, vector<50000xi32>
    %broadcast_in_dim3A = arith.constant -3.000000e+38 : f32
    %broadcast_in_dim3A_9 = vector.broadcast %broadcast_in_dim3A : f32 to vector<1xf32>
    %slice3A = vector.extract_strided_slice %add3A {offsets = [0], sizes = [49999], strides = [1]} : vector<50000xf32> to vector<49999xf32>
    %concatenate3A = tpu.concatenate %broadcast_in_dim3A_9, %slice3A in 0 : vector<1xf32>, vector<49999xf32> -> vector<50000xf32>
    %broadcast_in_dim3A_10 = arith.constant -1 : i32
    %broadcast_in_dim3A_11 = vector.broadcast %broadcast_in_dim3A_10 : i32 to vector<1xi32>
    %slice3A_12 = vector.extract_strided_slice %get3A_8 {offsets = [0], sizes = [49999], strides = [1]} : vector<50000xi32> to vector<49999xi32>
    %concatenate3A_13 = tpu.concatenate %broadcast_in_dim3A_11, %slice3A_12 in 0 : vector<1xi32>, vector<49999xi32> -> vector<50000xi32>
    %eq3A = arith.cmpi eq, %concatenate3A_13, %get3A_8 : vector<50000xi32>
    %max3A = arith.maximumf %add3A, %concatenate3A : vector<50000xf32>
    %select_n3A = arith.select %eq3A, %max3A, %add3A : vector<50000xi1>, vector<50000xf32>
    %broadcast_in_dim3A_14 = arith.constant -3.000000e+38 : f32
    %broadcast_in_dim3A_15 = vector.broadcast %broadcast_in_dim3A_14 : f32 to vector<2xf32>
    %slice3A_16 = vector.extract_strided_slice %select_n3A {offsets = [0], sizes = [49998], strides = [1]} : vector<50000xf32> to vector<49998xf32>
    %concatenate3A_17 = tpu.concatenate %broadcast_in_dim3A_15, %slice3A_16 in 0 : vector<2xf32>, vector<49998xf32> -> vector<50000xf32>
    %broadcast_in_dim3A_18 = arith.constant -1 : i32
    %broadcast_in_dim3A_19 = vector.broadcast %broadcast_in_dim3A_18 : i32 to vector<2xi32>
    %slice3A_20 = vector.extract_strided_slice %get3A_8 {offsets = [0], sizes = [49998], strides = [1]} : vector<50000xi32> to vector<49998xi32>
    %concatenate3A_21 = tpu.concatenate %broadcast_in_dim3A_19, %slice3A_20 in 0 : vector<2xi32>, vector<49998xi32> -> vector<50000xi32>
    %eq3A_22 = arith.cmpi eq, %concatenate3A_21, %get3A_8 : vector<50000xi32>
    %max3A_23 = arith.maximumf %select_n3A, %concatenate3A_17 : vector<50000xf32>
    %select_n3A_24 = arith.select %eq3A_22, %max3A_23, %select_n3A : vector<50000xi1>, vector<50000xf32>
    %broadcast_in_dim3A_25 = arith.constant -3.000000e+38 : f32
    %broadcast_in_dim3A_26 = vector.broadcast %broadcast_in_dim3A_25 : f32 to vector<4xf32>
    %slice3A_27 = vector.extract_strided_slice %select_n3A_24 {offsets = [0], sizes = [49996], strides = [1]} : vector<50000xf32> to vector<49996xf32>
    %concatenate3A_28 = tpu.concatenate %broadcast_in_dim3A_26, %slice3A_27 in 0 : vector<4xf32>, vector<49996xf32> -> vector<50000xf32>
    %broadcast_in_dim3A_29 = arith.constant -1 : i32
    %broadcast_in_dim3A_30 = vector.broadcast %broadcast_in_dim3A_29 : i32 to vector<4xi32>
    %slice3A_31 = vector.extract_strided_slice %get3A_8 {offsets = [0], sizes = [49996], strides = [1]} : vector<50000xi32> to vector<49996xi32>
    %concatenate3A_32 = tpu.concatenate %broadcast_in_dim3A_30, %slice3A_31 in 0 : vector<4xi32>, vector<49996xi32> -> vector<50000xi32>
    %eq3A_33 = arith.cmpi eq, %concatenate3A_32, %get3A_8 : vector<50000xi32>
    %max3A_34 = arith.maximumf %select_n3A_24, %concatenate3A_28 : vector<50000xf32>
    %select_n3A_35 = arith.select %eq3A_33, %max3A_34, %select_n3A_24 : vector<50000xi1>, vector<50000xf32>
    %broadcast_in_dim3A_36 = arith.constant -3.000000e+38 : f32
    %broadcast_in_dim3A_37 = vector.broadcast %broadcast_in_dim3A_36 : f32 to vector<8xf32>
    %slice3A_38 = vector.extract_strided_slice %select_n3A_35 {offsets = [0], sizes = [49992], strides = [1]} : vector<50000xf32> to vector<49992xf32>
    %concatenate3A_39 = tpu.concatenate %broadcast_in_dim3A_37, %slice3A_38 in 0 : vector<8xf32>, vector<49992xf32> -> vector<50000xf32>
    %broadcast_in_dim3A_40 = arith.constant -1 : i32
    %broadcast_in_dim3A_41 = vector.broadcast %broadcast_in_dim3A_40 : i32 to vector<8xi32>
    %slice3A_42 = vector.extract_strided_slice %get3A_8 {offsets = [0], sizes = [49992], strides = [1]} : vector<50000xi32> to vector<49992xi32>
    %concatenate3A_43 = tpu.concatenate %broadcast_in_dim3A_41, %slice3A_42 in 0 : vector<8xi32>, vector<49992xi32> -> vector<50000xi32>
    %eq3A_44 = arith.cmpi eq, %concatenate3A_43, %get3A_8 : vector<50000xi32>
    %max3A_45 = arith.maximumf %select_n3A_35, %concatenate3A_39 : vector<50000xf32>
    %select_n3A_46 = arith.select %eq3A_44, %max3A_45, %select_n3A_35 : vector<50000xi1>, vector<50000xf32>
    %broadcast_in_dim3A_47 = arith.constant -3.000000e+38 : f32
    %broadcast_in_dim3A_48 = vector.broadcast %broadcast_in_dim3A_47 : f32 to vector<16xf32>
    %slice3A_49 = vector.extract_strided_slice %select_n3A_46 {offsets = [0], sizes = [49984], strides = [1]} : vector<50000xf32> to vector<49984xf32>
    %concatenate3A_50 = tpu.concatenate %broadcast_in_dim3A_48, %slice3A_49 in 0 : vector<16xf32>, vector<49984xf32> -> vector<50000xf32>
    %broadcast_in_dim3A_51 = arith.constant -1 : i32
    %broadcast_in_dim3A_52 = vector.broadcast %broadcast_in_dim3A_51 : i32 to vector<16xi32>
    %slice3A_53 = vector.extract_strided_slice %get3A_8 {offsets = [0], sizes = [49984], strides = [1]} : vector<50000xi32> to vector<49984xi32>
    %concatenate3A_54 = tpu.concatenate %broadcast_in_dim3A_52, %slice3A_53 in 0 : vector<16xi32>, vector<49984xi32> -> vector<50000xi32>
    %eq3A_55 = arith.cmpi eq, %concatenate3A_54, %get3A_8 : vector<50000xi32>
    %max3A_56 = arith.maximumf %select_n3A_46, %concatenate3A_50 : vector<50000xf32>
    %select_n3A_57 = arith.select %eq3A_55, %max3A_56, %select_n3A_46 : vector<50000xi1>, vector<50000xf32>
    %broadcast_in_dim3A_58 = arith.constant -3.000000e+38 : f32
    %broadcast_in_dim3A_59 = vector.broadcast %broadcast_in_dim3A_58 : f32 to vector<32xf32>
    %slice3A_60 = vector.extract_strided_slice %select_n3A_57 {offsets = [0], sizes = [49968], strides = [1]} : vector<50000xf32> to vector<49968xf32>
    %concatenate3A_61 = tpu.concatenate %broadcast_in_dim3A_59, %slice3A_60 in 0 : vector<32xf32>, vector<49968xf32> -> vector<50000xf32>
    %broadcast_in_dim3A_62 = arith.constant -1 : i32
    %broadcast_in_dim3A_63 = vector.broadcast %broadcast_in_dim3A_62 : i32 to vector<32xi32>
    %slice3A_64 = vector.extract_strided_slice %get3A_8 {offsets = [0], sizes = [49968], strides = [1]} : vector<50000xi32> to vector<49968xi32>
    %concatenate3A_65 = tpu.concatenate %broadcast_in_dim3A_63, %slice3A_64 in 0 : vector<32xi32>, vector<49968xi32> -> vector<50000xi32>
    %eq3A_66 = arith.cmpi eq, %concatenate3A_65, %get3A_8 : vector<50000xi32>
    %max3A_67 = arith.maximumf %select_n3A_57, %concatenate3A_61 : vector<50000xf32>
    %select_n3A_68 = arith.select %eq3A_66, %max3A_67, %select_n3A_57 : vector<50000xi1>, vector<50000xf32>
    %broadcast_in_dim3A_69 = arith.constant -3.000000e+38 : f32
    %broadcast_in_dim3A_70 = vector.broadcast %broadcast_in_dim3A_69 : f32 to vector<64xf32>
    %slice3A_71 = vector.extract_strided_slice %select_n3A_68 {offsets = [0], sizes = [49936], strides = [1]} : vector<50000xf32> to vector<49936xf32>
    %concatenate3A_72 = tpu.concatenate %broadcast_in_dim3A_70, %slice3A_71 in 0 : vector<64xf32>, vector<49936xf32> -> vector<50000xf32>
    %broadcast_in_dim3A_73 = arith.constant -1 : i32
    %broadcast_in_dim3A_74 = vector.broadcast %broadcast_in_dim3A_73 : i32 to vector<64xi32>
    %slice3A_75 = vector.extract_strided_slice %get3A_8 {offsets = [0], sizes = [49936], strides = [1]} : vector<50000xi32> to vector<49936xi32>
    %concatenate3A_76 = tpu.concatenate %broadcast_in_dim3A_74, %slice3A_75 in 0 : vector<64xi32>, vector<49936xi32> -> vector<50000xi32>
    %eq3A_77 = arith.cmpi eq, %concatenate3A_76, %get3A_8 : vector<50000xi32>
    %max3A_78 = arith.maximumf %select_n3A_68, %concatenate3A_72 : vector<50000xf32>
    %select_n3A_79 = arith.select %eq3A_77, %max3A_78, %select_n3A_68 : vector<50000xi1>, vector<50000xf32>
    %broadcast_in_dim3A_80 = arith.constant -3.000000e+38 : f32
    %broadcast_in_dim3A_81 = vector.broadcast %broadcast_in_dim3A_80 : f32 to vector<128xf32>
    %slice3A_82 = vector.extract_strided_slice %select_n3A_79 {offsets = [0], sizes = [49872], strides = [1]} : vector<50000xf32> to vector<49872xf32>
    %concatenate3A_83 = tpu.concatenate %broadcast_in_dim3A_81, %slice3A_82 in 0 : vector<128xf32>, vector<49872xf32> -> vector<50000xf32>
    %broadcast_in_dim3A_84 = arith.constant -1 : i32
    %broadcast_in_dim3A_85 = vector.broadcast %broadcast_in_dim3A_84 : i32 to vector<128xi32>
    %slice3A_86 = vector.extract_strided_slice %get3A_8 {offsets = [0], sizes = [49872], strides = [1]} : vector<50000xi32> to vector<49872xi32>
    %concatenate3A_87 = tpu.concatenate %broadcast_in_dim3A_85, %slice3A_86 in 0 : vector<128xi32>, vector<49872xi32> -> vector<50000xi32>
    %eq3A_88 = arith.cmpi eq, %concatenate3A_87, %get3A_8 : vector<50000xi32>
    %max3A_89 = arith.maximumf %select_n3A_79, %concatenate3A_83 : vector<50000xf32>
    %select_n3A_90 = arith.select %eq3A_88, %max3A_89, %select_n3A_79 : vector<50000xi1>, vector<50000xf32>
    %broadcast_in_dim3A_91 = arith.constant -3.000000e+38 : f32
    %broadcast_in_dim3A_92 = vector.broadcast %broadcast_in_dim3A_91 : f32 to vector<256xf32>
    %slice3A_93 = vector.extract_strided_slice %select_n3A_90 {offsets = [0], sizes = [49744], strides = [1]} : vector<50000xf32> to vector<49744xf32>
    %concatenate3A_94 = tpu.concatenate %broadcast_in_dim3A_92, %slice3A_93 in 0 : vector<256xf32>, vector<49744xf32> -> vector<50000xf32>
    %broadcast_in_dim3A_95 = arith.constant -1 : i32
    %broadcast_in_dim3A_96 = vector.broadcast %broadcast_in_dim3A_95 : i32 to vector<256xi32>
    %slice3A_97 = vector.extract_strided_slice %get3A_8 {offsets = [0], sizes = [49744], strides = [1]} : vector<50000xi32> to vector<49744xi32>
    %concatenate3A_98 = tpu.concatenate %broadcast_in_dim3A_96, %slice3A_97 in 0 : vector<256xi32>, vector<49744xi32> -> vector<50000xi32>
    %eq3A_99 = arith.cmpi eq, %concatenate3A_98, %get3A_8 : vector<50000xi32>
    %max3A_100 = arith.maximumf %select_n3A_90, %concatenate3A_94 : vector<50000xf32>
    %select_n3A_101 = arith.select %eq3A_99, %max3A_100, %select_n3A_90 : vector<50000xi1>, vector<50000xf32>
    %broadcast_in_dim3A_102 = arith.constant -3.000000e+38 : f32
    %broadcast_in_dim3A_103 = vector.broadcast %broadcast_in_dim3A_102 : f32 to vector<512xf32>
    %slice3A_104 = vector.extract_strided_slice %select_n3A_101 {offsets = [0], sizes = [49488], strides = [1]} : vector<50000xf32> to vector<49488xf32>
    %concatenate3A_105 = tpu.concatenate %broadcast_in_dim3A_103, %slice3A_104 in 0 : vector<512xf32>, vector<49488xf32> -> vector<50000xf32>
    %broadcast_in_dim3A_106 = arith.constant -1 : i32
    %broadcast_in_dim3A_107 = vector.broadcast %broadcast_in_dim3A_106 : i32 to vector<512xi32>
    %slice3A_108 = vector.extract_strided_slice %get3A_8 {offsets = [0], sizes = [49488], strides = [1]} : vector<50000xi32> to vector<49488xi32>
    %concatenate3A_109 = tpu.concatenate %broadcast_in_dim3A_107, %slice3A_108 in 0 : vector<512xi32>, vector<49488xi32> -> vector<50000xi32>
    %eq3A_110 = arith.cmpi eq, %concatenate3A_109, %get3A_8 : vector<50000xi32>
    %max3A_111 = arith.maximumf %select_n3A_101, %concatenate3A_105 : vector<50000xf32>
    %select_n3A_112 = arith.select %eq3A_110, %max3A_111, %select_n3A_101 : vector<50000xi1>, vector<50000xf32>
    %broadcast_in_dim3A_113 = arith.constant -3.000000e+38 : f32
    %broadcast_in_dim3A_114 = vector.broadcast %broadcast_in_dim3A_113 : f32 to vector<1024xf32>
    %slice3A_115 = vector.extract_strided_slice %select_n3A_112 {offsets = [0], sizes = [48976], strides = [1]} : vector<50000xf32> to vector<48976xf32>
    %concatenate3A_116 = tpu.concatenate %broadcast_in_dim3A_114, %slice3A_115 in 0 : vector<1024xf32>, vector<48976xf32> -> vector<50000xf32>
    %broadcast_in_dim3A_117 = arith.constant -1 : i32
    %broadcast_in_dim3A_118 = vector.broadcast %broadcast_in_dim3A_117 : i32 to vector<1024xi32>
    %slice3A_119 = vector.extract_strided_slice %get3A_8 {offsets = [0], sizes = [48976], strides = [1]} : vector<50000xi32> to vector<48976xi32>
    %concatenate3A_120 = tpu.concatenate %broadcast_in_dim3A_118, %slice3A_119 in 0 : vector<1024xi32>, vector<48976xi32> -> vector<50000xi32>
    %eq3A_121 = arith.cmpi eq, %concatenate3A_120, %get3A_8 : vector<50000xi32>
    %max3A_122 = arith.maximumf %select_n3A_112, %concatenate3A_116 : vector<50000xf32>
    %select_n3A_123 = arith.select %eq3A_121, %max3A_122, %select_n3A_112 : vector<50000xi1>, vector<50000xf32>
    %broadcast_in_dim3A_124 = arith.constant -3.000000e+38 : f32
    %broadcast_in_dim3A_125 = vector.broadcast %broadcast_in_dim3A_124 : f32 to vector<2048xf32>
    %slice3A_126 = vector.extract_strided_slice %select_n3A_123 {offsets = [0], sizes = [47952], strides = [1]} : vector<50000xf32> to vector<47952xf32>
    %concatenate3A_127 = tpu.concatenate %broadcast_in_dim3A_125, %slice3A_126 in 0 : vector<2048xf32>, vector<47952xf32> -> vector<50000xf32>
    %broadcast_in_dim3A_128 = arith.constant -1 : i32
    %broadcast_in_dim3A_129 = vector.broadcast %broadcast_in_dim3A_128 : i32 to vector<2048xi32>
    %slice3A_130 = vector.extract_strided_slice %get3A_8 {offsets = [0], sizes = [47952], strides = [1]} : vector<50000xi32> to vector<47952xi32>
    %concatenate3A_131 = tpu.concatenate %broadcast_in_dim3A_129, %slice3A_130 in 0 : vector<2048xi32>, vector<47952xi32> -> vector<50000xi32>
    %eq3A_132 = arith.cmpi eq, %concatenate3A_131, %get3A_8 : vector<50000xi32>
    %max3A_133 = arith.maximumf %select_n3A_123, %concatenate3A_127 : vector<50000xf32>
    %select_n3A_134 = arith.select %eq3A_132, %max3A_133, %select_n3A_123 : vector<50000xi1>, vector<50000xf32>
    %broadcast_in_dim3A_135 = arith.constant -3.000000e+38 : f32
    %broadcast_in_dim3A_136 = vector.broadcast %broadcast_in_dim3A_135 : f32 to vector<4096xf32>
    %slice3A_137 = vector.extract_strided_slice %select_n3A_134 {offsets = [0], sizes = [45904], strides = [1]} : vector<50000xf32> to vector<45904xf32>
    %concatenate3A_138 = tpu.concatenate %broadcast_in_dim3A_136, %slice3A_137 in 0 : vector<4096xf32>, vector<45904xf32> -> vector<50000xf32>
    %broadcast_in_dim3A_139 = arith.constant -1 : i32
    %broadcast_in_dim3A_140 = vector.broadcast %broadcast_in_dim3A_139 : i32 to vector<4096xi32>
    %slice3A_141 = vector.extract_strided_slice %get3A_8 {offsets = [0], sizes = [45904], strides = [1]} : vector<50000xi32> to vector<45904xi32>
    %concatenate3A_142 = tpu.concatenate %broadcast_in_dim3A_140, %slice3A_141 in 0 : vector<4096xi32>, vector<45904xi32> -> vector<50000xi32>
    %eq3A_143 = arith.cmpi eq, %concatenate3A_142, %get3A_8 : vector<50000xi32>
    %max3A_144 = arith.maximumf %select_n3A_134, %concatenate3A_138 : vector<50000xf32>
    %select_n3A_145 = arith.select %eq3A_143, %max3A_144, %select_n3A_134 : vector<50000xi1>, vector<50000xf32>
    %broadcast_in_dim3A_146 = arith.constant -3.000000e+38 : f32
    %broadcast_in_dim3A_147 = vector.broadcast %broadcast_in_dim3A_146 : f32 to vector<8192xf32>
    %slice3A_148 = vector.extract_strided_slice %select_n3A_145 {offsets = [0], sizes = [41808], strides = [1]} : vector<50000xf32> to vector<41808xf32>
    %concatenate3A_149 = tpu.concatenate %broadcast_in_dim3A_147, %slice3A_148 in 0 : vector<8192xf32>, vector<41808xf32> -> vector<50000xf32>
    %broadcast_in_dim3A_150 = arith.constant -1 : i32
    %broadcast_in_dim3A_151 = vector.broadcast %broadcast_in_dim3A_150 : i32 to vector<8192xi32>
    %slice3A_152 = vector.extract_strided_slice %get3A_8 {offsets = [0], sizes = [41808], strides = [1]} : vector<50000xi32> to vector<41808xi32>
    %concatenate3A_153 = tpu.concatenate %broadcast_in_dim3A_151, %slice3A_152 in 0 : vector<8192xi32>, vector<41808xi32> -> vector<50000xi32>
    %eq3A_154 = arith.cmpi eq, %concatenate3A_153, %get3A_8 : vector<50000xi32>
    %max3A_155 = arith.maximumf %select_n3A_145, %concatenate3A_149 : vector<50000xf32>
    %select_n3A_156 = arith.select %eq3A_154, %max3A_155, %select_n3A_145 : vector<50000xi1>, vector<50000xf32>
    %broadcast_in_dim3A_157 = arith.constant -3.000000e+38 : f32
    %broadcast_in_dim3A_158 = vector.broadcast %broadcast_in_dim3A_157 : f32 to vector<16384xf32>
    %slice3A_159 = vector.extract_strided_slice %select_n3A_156 {offsets = [0], sizes = [33616], strides = [1]} : vector<50000xf32> to vector<33616xf32>
    %concatenate3A_160 = tpu.concatenate %broadcast_in_dim3A_158, %slice3A_159 in 0 : vector<16384xf32>, vector<33616xf32> -> vector<50000xf32>
    %broadcast_in_dim3A_161 = arith.constant -1 : i32
    %broadcast_in_dim3A_162 = vector.broadcast %broadcast_in_dim3A_161 : i32 to vector<16384xi32>
    %slice3A_163 = vector.extract_strided_slice %get3A_8 {offsets = [0], sizes = [33616], strides = [1]} : vector<50000xi32> to vector<33616xi32>
    %concatenate3A_164 = tpu.concatenate %broadcast_in_dim3A_162, %slice3A_163 in 0 : vector<16384xi32>, vector<33616xi32> -> vector<50000xi32>
    %eq3A_165 = arith.cmpi eq, %concatenate3A_164, %get3A_8 : vector<50000xi32>
    %max3A_166 = arith.maximumf %select_n3A_156, %concatenate3A_160 : vector<50000xf32>
    %select_n3A_167 = arith.select %eq3A_165, %max3A_166, %select_n3A_156 : vector<50000xi1>, vector<50000xf32>
    %broadcast_in_dim3A_168 = arith.constant -3.000000e+38 : f32
    %broadcast_in_dim3A_169 = vector.broadcast %broadcast_in_dim3A_168 : f32 to vector<32768xf32>
    %slice3A_170 = vector.extract_strided_slice %select_n3A_167 {offsets = [0], sizes = [17232], strides = [1]} : vector<50000xf32> to vector<17232xf32>
    %concatenate3A_171 = tpu.concatenate %broadcast_in_dim3A_169, %slice3A_170 in 0 : vector<32768xf32>, vector<17232xf32> -> vector<50000xf32>
    %broadcast_in_dim3A_172 = arith.constant -1 : i32
    %broadcast_in_dim3A_173 = vector.broadcast %broadcast_in_dim3A_172 : i32 to vector<32768xi32>
    %slice3A_174 = vector.extract_strided_slice %get3A_8 {offsets = [0], sizes = [17232], strides = [1]} : vector<50000xi32> to vector<17232xi32>
    %concatenate3A_175 = tpu.concatenate %broadcast_in_dim3A_173, %slice3A_174 in 0 : vector<32768xi32>, vector<17232xi32> -> vector<50000xi32>
    %eq3A_176 = arith.cmpi eq, %concatenate3A_175, %get3A_8 : vector<50000xi32>
    %max3A_177 = arith.maximumf %select_n3A_167, %concatenate3A_171 : vector<50000xf32>
    %select_n3A_178 = arith.select %eq3A_176, %max3A_177, %select_n3A_167 : vector<50000xi1>, vector<50000xf32>
    %slice3A_179 = vector.extract_strided_slice %add3A {offsets = [1], sizes = [49999], strides = [1]} : vector<50000xf32> to vector<49999xf32>
    %broadcast_in_dim3A_180 = arith.constant -3.000000e+38 : f32
    %broadcast_in_dim3A_181 = vector.broadcast %broadcast_in_dim3A_180 : f32 to vector<1xf32>
    %concatenate3A_182 = tpu.concatenate %slice3A_179, %broadcast_in_dim3A_181 in 0 : vector<49999xf32>, vector<1xf32> -> vector<50000xf32>
    %slice3A_183 = vector.extract_strided_slice %get3A_8 {offsets = [1], sizes = [49999], strides = [1]} : vector<50000xi32> to vector<49999xi32>
    %broadcast_in_dim3A_184 = arith.constant -1 : i32
    %broadcast_in_dim3A_185 = vector.broadcast %broadcast_in_dim3A_184 : i32 to vector<1xi32>
    %concatenate3A_186 = tpu.concatenate %slice3A_183, %broadcast_in_dim3A_185 in 0 : vector<49999xi32>, vector<1xi32> -> vector<50000xi32>
    %eq3A_187 = arith.cmpi eq, %concatenate3A_186, %get3A_8 : vector<50000xi32>
    %max3A_188 = arith.maximumf %add3A, %concatenate3A_182 : vector<50000xf32>
    %select_n3A_189 = arith.select %eq3A_187, %max3A_188, %add3A : vector<50000xi1>, vector<50000xf32>
    %slice3A_190 = vector.extract_strided_slice %select_n3A_189 {offsets = [2], sizes = [49998], strides = [1]} : vector<50000xf32> to vector<49998xf32>
    %broadcast_in_dim3A_191 = arith.constant -3.000000e+38 : f32
    %broadcast_in_dim3A_192 = vector.broadcast %broadcast_in_dim3A_191 : f32 to vector<2xf32>
    %concatenate3A_193 = tpu.concatenate %slice3A_190, %broadcast_in_dim3A_192 in 0 : vector<49998xf32>, vector<2xf32> -> vector<50000xf32>
    %slice3A_194 = vector.extract_strided_slice %get3A_8 {offsets = [2], sizes = [49998], strides = [1]} : vector<50000xi32> to vector<49998xi32>
    %broadcast_in_dim3A_195 = arith.constant -1 : i32
    %broadcast_in_dim3A_196 = vector.broadcast %broadcast_in_dim3A_195 : i32 to vector<2xi32>
    %concatenate3A_197 = tpu.concatenate %slice3A_194, %broadcast_in_dim3A_196 in 0 : vector<49998xi32>, vector<2xi32> -> vector<50000xi32>
    %eq3A_198 = arith.cmpi eq, %concatenate3A_197, %get3A_8 : vector<50000xi32>
    %max3A_199 = arith.maximumf %select_n3A_189, %concatenate3A_193 : vector<50000xf32>
    %select_n3A_200 = arith.select %eq3A_198, %max3A_199, %select_n3A_189 : vector<50000xi1>, vector<50000xf32>
    %slice3A_201 = vector.extract_strided_slice %select_n3A_200 {offsets = [4], sizes = [49996], strides = [1]} : vector<50000xf32> to vector<49996xf32>
    %broadcast_in_dim3A_202 = arith.constant -3.000000e+38 : f32
    %broadcast_in_dim3A_203 = vector.broadcast %broadcast_in_dim3A_202 : f32 to vector<4xf32>
    %concatenate3A_204 = tpu.concatenate %slice3A_201, %broadcast_in_dim3A_203 in 0 : vector<49996xf32>, vector<4xf32> -> vector<50000xf32>
    %slice3A_205 = vector.extract_strided_slice %get3A_8 {offsets = [4], sizes = [49996], strides = [1]} : vector<50000xi32> to vector<49996xi32>
    %broadcast_in_dim3A_206 = arith.constant -1 : i32
    %broadcast_in_dim3A_207 = vector.broadcast %broadcast_in_dim3A_206 : i32 to vector<4xi32>
    %concatenate3A_208 = tpu.concatenate %slice3A_205, %broadcast_in_dim3A_207 in 0 : vector<49996xi32>, vector<4xi32> -> vector<50000xi32>
    %eq3A_209 = arith.cmpi eq, %concatenate3A_208, %get3A_8 : vector<50000xi32>
    %max3A_210 = arith.maximumf %select_n3A_200, %concatenate3A_204 : vector<50000xf32>
    %select_n3A_211 = arith.select %eq3A_209, %max3A_210, %select_n3A_200 : vector<50000xi1>, vector<50000xf32>
    %slice3A_212 = vector.extract_strided_slice %select_n3A_211 {offsets = [8], sizes = [49992], strides = [1]} : vector<50000xf32> to vector<49992xf32>
    %broadcast_in_dim3A_213 = arith.constant -3.000000e+38 : f32
    %broadcast_in_dim3A_214 = vector.broadcast %broadcast_in_dim3A_213 : f32 to vector<8xf32>
    %concatenate3A_215 = tpu.concatenate %slice3A_212, %broadcast_in_dim3A_214 in 0 : vector<49992xf32>, vector<8xf32> -> vector<50000xf32>
    %slice3A_216 = vector.extract_strided_slice %get3A_8 {offsets = [8], sizes = [49992], strides = [1]} : vector<50000xi32> to vector<49992xi32>
    %broadcast_in_dim3A_217 = arith.constant -1 : i32
    %broadcast_in_dim3A_218 = vector.broadcast %broadcast_in_dim3A_217 : i32 to vector<8xi32>
    %concatenate3A_219 = tpu.concatenate %slice3A_216, %broadcast_in_dim3A_218 in 0 : vector<49992xi32>, vector<8xi32> -> vector<50000xi32>
    %eq3A_220 = arith.cmpi eq, %concatenate3A_219, %get3A_8 : vector<50000xi32>
    %max3A_221 = arith.maximumf %select_n3A_211, %concatenate3A_215 : vector<50000xf32>
    %select_n3A_222 = arith.select %eq3A_220, %max3A_221, %select_n3A_211 : vector<50000xi1>, vector<50000xf32>
    %slice3A_223 = vector.extract_strided_slice %select_n3A_222 {offsets = [16], sizes = [49984], strides = [1]} : vector<50000xf32> to vector<49984xf32>
    %broadcast_in_dim3A_224 = arith.constant -3.000000e+38 : f32
    %broadcast_in_dim3A_225 = vector.broadcast %broadcast_in_dim3A_224 : f32 to vector<16xf32>
    %concatenate3A_226 = tpu.concatenate %slice3A_223, %broadcast_in_dim3A_225 in 0 : vector<49984xf32>, vector<16xf32> -> vector<50000xf32>
    %slice3A_227 = vector.extract_strided_slice %get3A_8 {offsets = [16], sizes = [49984], strides = [1]} : vector<50000xi32> to vector<49984xi32>
    %broadcast_in_dim3A_228 = arith.constant -1 : i32
    %broadcast_in_dim3A_229 = vector.broadcast %broadcast_in_dim3A_228 : i32 to vector<16xi32>
    %concatenate3A_230 = tpu.concatenate %slice3A_227, %broadcast_in_dim3A_229 in 0 : vector<49984xi32>, vector<16xi32> -> vector<50000xi32>
    %eq3A_231 = arith.cmpi eq, %concatenate3A_230, %get3A_8 : vector<50000xi32>
    %max3A_232 = arith.maximumf %select_n3A_222, %concatenate3A_226 : vector<50000xf32>
    %select_n3A_233 = arith.select %eq3A_231, %max3A_232, %select_n3A_222 : vector<50000xi1>, vector<50000xf32>
    %slice3A_234 = vector.extract_strided_slice %select_n3A_233 {offsets = [32], sizes = [49968], strides = [1]} : vector<50000xf32> to vector<49968xf32>
    %broadcast_in_dim3A_235 = arith.constant -3.000000e+38 : f32
    %broadcast_in_dim3A_236 = vector.broadcast %broadcast_in_dim3A_235 : f32 to vector<32xf32>
    %concatenate3A_237 = tpu.concatenate %slice3A_234, %broadcast_in_dim3A_236 in 0 : vector<49968xf32>, vector<32xf32> -> vector<50000xf32>
    %slice3A_238 = vector.extract_strided_slice %get3A_8 {offsets = [32], sizes = [49968], strides = [1]} : vector<50000xi32> to vector<49968xi32>
    %broadcast_in_dim3A_239 = arith.constant -1 : i32
    %broadcast_in_dim3A_240 = vector.broadcast %broadcast_in_dim3A_239 : i32 to vector<32xi32>
    %concatenate3A_241 = tpu.concatenate %slice3A_238, %broadcast_in_dim3A_240 in 0 : vector<49968xi32>, vector<32xi32> -> vector<50000xi32>
    %eq3A_242 = arith.cmpi eq, %concatenate3A_241, %get3A_8 : vector<50000xi32>
    %max3A_243 = arith.maximumf %select_n3A_233, %concatenate3A_237 : vector<50000xf32>
    %select_n3A_244 = arith.select %eq3A_242, %max3A_243, %select_n3A_233 : vector<50000xi1>, vector<50000xf32>
    %slice3A_245 = vector.extract_strided_slice %select_n3A_244 {offsets = [64], sizes = [49936], strides = [1]} : vector<50000xf32> to vector<49936xf32>
    %broadcast_in_dim3A_246 = arith.constant -3.000000e+38 : f32
    %broadcast_in_dim3A_247 = vector.broadcast %broadcast_in_dim3A_246 : f32 to vector<64xf32>
    %concatenate3A_248 = tpu.concatenate %slice3A_245, %broadcast_in_dim3A_247 in 0 : vector<49936xf32>, vector<64xf32> -> vector<50000xf32>
    %slice3A_249 = vector.extract_strided_slice %get3A_8 {offsets = [64], sizes = [49936], strides = [1]} : vector<50000xi32> to vector<49936xi32>
    %broadcast_in_dim3A_250 = arith.constant -1 : i32
    %broadcast_in_dim3A_251 = vector.broadcast %broadcast_in_dim3A_250 : i32 to vector<64xi32>
    %concatenate3A_252 = tpu.concatenate %slice3A_249, %broadcast_in_dim3A_251 in 0 : vector<49936xi32>, vector<64xi32> -> vector<50000xi32>
    %eq3A_253 = arith.cmpi eq, %concatenate3A_252, %get3A_8 : vector<50000xi32>
    %max3A_254 = arith.maximumf %select_n3A_244, %concatenate3A_248 : vector<50000xf32>
    %select_n3A_255 = arith.select %eq3A_253, %max3A_254, %select_n3A_244 : vector<50000xi1>, vector<50000xf32>
    %slice3A_256 = vector.extract_strided_slice %select_n3A_255 {offsets = [128], sizes = [49872], strides = [1]} : vector<50000xf32> to vector<49872xf32>
    %broadcast_in_dim3A_257 = arith.constant -3.000000e+38 : f32
    %broadcast_in_dim3A_258 = vector.broadcast %broadcast_in_dim3A_257 : f32 to vector<128xf32>
    %concatenate3A_259 = tpu.concatenate %slice3A_256, %broadcast_in_dim3A_258 in 0 : vector<49872xf32>, vector<128xf32> -> vector<50000xf32>
    %slice3A_260 = vector.extract_strided_slice %get3A_8 {offsets = [128], sizes = [49872], strides = [1]} : vector<50000xi32> to vector<49872xi32>
    %broadcast_in_dim3A_261 = arith.constant -1 : i32
    %broadcast_in_dim3A_262 = vector.broadcast %broadcast_in_dim3A_261 : i32 to vector<128xi32>
    %concatenate3A_263 = tpu.concatenate %slice3A_260, %broadcast_in_dim3A_262 in 0 : vector<49872xi32>, vector<128xi32> -> vector<50000xi32>
    %eq3A_264 = arith.cmpi eq, %concatenate3A_263, %get3A_8 : vector<50000xi32>
    %max3A_265 = arith.maximumf %select_n3A_255, %concatenate3A_259 : vector<50000xf32>
    %select_n3A_266 = arith.select %eq3A_264, %max3A_265, %select_n3A_255 : vector<50000xi1>, vector<50000xf32>
    %slice3A_267 = vector.extract_strided_slice %select_n3A_266 {offsets = [256], sizes = [49744], strides = [1]} : vector<50000xf32> to vector<49744xf32>
    %broadcast_in_dim3A_268 = arith.constant -3.000000e+38 : f32
    %broadcast_in_dim3A_269 = vector.broadcast %broadcast_in_dim3A_268 : f32 to vector<256xf32>
    %concatenate3A_270 = tpu.concatenate %slice3A_267, %broadcast_in_dim3A_269 in 0 : vector<49744xf32>, vector<256xf32> -> vector<50000xf32>
    %slice3A_271 = vector.extract_strided_slice %get3A_8 {offsets = [256], sizes = [49744], strides = [1]} : vector<50000xi32> to vector<49744xi32>
    %broadcast_in_dim3A_272 = arith.constant -1 : i32
    %broadcast_in_dim3A_273 = vector.broadcast %broadcast_in_dim3A_272 : i32 to vector<256xi32>
    %concatenate3A_274 = tpu.concatenate %slice3A_271, %broadcast_in_dim3A_273 in 0 : vector<49744xi32>, vector<256xi32> -> vector<50000xi32>
    %eq3A_275 = arith.cmpi eq, %concatenate3A_274, %get3A_8 : vector<50000xi32>
    %max3A_276 = arith.maximumf %select_n3A_266, %concatenate3A_270 : vector<50000xf32>
    %select_n3A_277 = arith.select %eq3A_275, %max3A_276, %select_n3A_266 : vector<50000xi1>, vector<50000xf32>
    %slice3A_278 = vector.extract_strided_slice %select_n3A_277 {offsets = [512], sizes = [49488], strides = [1]} : vector<50000xf32> to vector<49488xf32>
    %broadcast_in_dim3A_279 = arith.constant -3.000000e+38 : f32
    %broadcast_in_dim3A_280 = vector.broadcast %broadcast_in_dim3A_279 : f32 to vector<512xf32>
    %concatenate3A_281 = tpu.concatenate %slice3A_278, %broadcast_in_dim3A_280 in 0 : vector<49488xf32>, vector<512xf32> -> vector<50000xf32>
    %slice3A_282 = vector.extract_strided_slice %get3A_8 {offsets = [512], sizes = [49488], strides = [1]} : vector<50000xi32> to vector<49488xi32>
    %broadcast_in_dim3A_283 = arith.constant -1 : i32
    %broadcast_in_dim3A_284 = vector.broadcast %broadcast_in_dim3A_283 : i32 to vector<512xi32>
    %concatenate3A_285 = tpu.concatenate %slice3A_282, %broadcast_in_dim3A_284 in 0 : vector<49488xi32>, vector<512xi32> -> vector<50000xi32>
    %eq3A_286 = arith.cmpi eq, %concatenate3A_285, %get3A_8 : vector<50000xi32>
    %max3A_287 = arith.maximumf %select_n3A_277, %concatenate3A_281 : vector<50000xf32>
    %select_n3A_288 = arith.select %eq3A_286, %max3A_287, %select_n3A_277 : vector<50000xi1>, vector<50000xf32>
    %slice3A_289 = vector.extract_strided_slice %select_n3A_288 {offsets = [1024], sizes = [48976], strides = [1]} : vector<50000xf32> to vector<48976xf32>
    %broadcast_in_dim3A_290 = arith.constant -3.000000e+38 : f32
    %broadcast_in_dim3A_291 = vector.broadcast %broadcast_in_dim3A_290 : f32 to vector<1024xf32>
    %concatenate3A_292 = tpu.concatenate %slice3A_289, %broadcast_in_dim3A_291 in 0 : vector<48976xf32>, vector<1024xf32> -> vector<50000xf32>
    %slice3A_293 = vector.extract_strided_slice %get3A_8 {offsets = [1024], sizes = [48976], strides = [1]} : vector<50000xi32> to vector<48976xi32>
    %broadcast_in_dim3A_294 = arith.constant -1 : i32
    %broadcast_in_dim3A_295 = vector.broadcast %broadcast_in_dim3A_294 : i32 to vector<1024xi32>
    %concatenate3A_296 = tpu.concatenate %slice3A_293, %broadcast_in_dim3A_295 in 0 : vector<48976xi32>, vector<1024xi32> -> vector<50000xi32>
    %eq3A_297 = arith.cmpi eq, %concatenate3A_296, %get3A_8 : vector<50000xi32>
    %max3A_298 = arith.maximumf %select_n3A_288, %concatenate3A_292 : vector<50000xf32>
    %select_n3A_299 = arith.select %eq3A_297, %max3A_298, %select_n3A_288 : vector<50000xi1>, vector<50000xf32>
    %slice3A_300 = vector.extract_strided_slice %select_n3A_299 {offsets = [2048], sizes = [47952], strides = [1]} : vector<50000xf32> to vector<47952xf32>
    %broadcast_in_dim3A_301 = arith.constant -3.000000e+38 : f32
    %broadcast_in_dim3A_302 = vector.broadcast %broadcast_in_dim3A_301 : f32 to vector<2048xf32>
    %concatenate3A_303 = tpu.concatenate %slice3A_300, %broadcast_in_dim3A_302 in 0 : vector<47952xf32>, vector<2048xf32> -> vector<50000xf32>
    %slice3A_304 = vector.extract_strided_slice %get3A_8 {offsets = [2048], sizes = [47952], strides = [1]} : vector<50000xi32> to vector<47952xi32>
    %broadcast_in_dim3A_305 = arith.constant -1 : i32
    %broadcast_in_dim3A_306 = vector.broadcast %broadcast_in_dim3A_305 : i32 to vector<2048xi32>
    %concatenate3A_307 = tpu.concatenate %slice3A_304, %broadcast_in_dim3A_306 in 0 : vector<47952xi32>, vector<2048xi32> -> vector<50000xi32>
    %eq3A_308 = arith.cmpi eq, %concatenate3A_307, %get3A_8 : vector<50000xi32>
    %max3A_309 = arith.maximumf %select_n3A_299, %concatenate3A_303 : vector<50000xf32>
    %select_n3A_310 = arith.select %eq3A_308, %max3A_309, %select_n3A_299 : vector<50000xi1>, vector<50000xf32>
    %slice3A_311 = vector.extract_strided_slice %select_n3A_310 {offsets = [4096], sizes = [45904], strides = [1]} : vector<50000xf32> to vector<45904xf32>
    %broadcast_in_dim3A_312 = arith.constant -3.000000e+38 : f32
    %broadcast_in_dim3A_313 = vector.broadcast %broadcast_in_dim3A_312 : f32 to vector<4096xf32>
    %concatenate3A_314 = tpu.concatenate %slice3A_311, %broadcast_in_dim3A_313 in 0 : vector<45904xf32>, vector<4096xf32> -> vector<50000xf32>
    %slice3A_315 = vector.extract_strided_slice %get3A_8 {offsets = [4096], sizes = [45904], strides = [1]} : vector<50000xi32> to vector<45904xi32>
    %broadcast_in_dim3A_316 = arith.constant -1 : i32
    %broadcast_in_dim3A_317 = vector.broadcast %broadcast_in_dim3A_316 : i32 to vector<4096xi32>
    %concatenate3A_318 = tpu.concatenate %slice3A_315, %broadcast_in_dim3A_317 in 0 : vector<45904xi32>, vector<4096xi32> -> vector<50000xi32>
    %eq3A_319 = arith.cmpi eq, %concatenate3A_318, %get3A_8 : vector<50000xi32>
    %max3A_320 = arith.maximumf %select_n3A_310, %concatenate3A_314 : vector<50000xf32>
    %select_n3A_321 = arith.select %eq3A_319, %max3A_320, %select_n3A_310 : vector<50000xi1>, vector<50000xf32>
    %slice3A_322 = vector.extract_strided_slice %select_n3A_321 {offsets = [8192], sizes = [41808], strides = [1]} : vector<50000xf32> to vector<41808xf32>
    %broadcast_in_dim3A_323 = arith.constant -3.000000e+38 : f32
    %broadcast_in_dim3A_324 = vector.broadcast %broadcast_in_dim3A_323 : f32 to vector<8192xf32>
    %concatenate3A_325 = tpu.concatenate %slice3A_322, %broadcast_in_dim3A_324 in 0 : vector<41808xf32>, vector<8192xf32> -> vector<50000xf32>
    %slice3A_326 = vector.extract_strided_slice %get3A_8 {offsets = [8192], sizes = [41808], strides = [1]} : vector<50000xi32> to vector<41808xi32>
    %broadcast_in_dim3A_327 = arith.constant -1 : i32
    %broadcast_in_dim3A_328 = vector.broadcast %broadcast_in_dim3A_327 : i32 to vector<8192xi32>
    %concatenate3A_329 = tpu.concatenate %slice3A_326, %broadcast_in_dim3A_328 in 0 : vector<41808xi32>, vector<8192xi32> -> vector<50000xi32>
    %eq3A_330 = arith.cmpi eq, %concatenate3A_329, %get3A_8 : vector<50000xi32>
    %max3A_331 = arith.maximumf %select_n3A_321, %concatenate3A_325 : vector<50000xf32>
    %select_n3A_332 = arith.select %eq3A_330, %max3A_331, %select_n3A_321 : vector<50000xi1>, vector<50000xf32>
    %slice3A_333 = vector.extract_strided_slice %select_n3A_332 {offsets = [16384], sizes = [33616], strides = [1]} : vector<50000xf32> to vector<33616xf32>
    %broadcast_in_dim3A_334 = arith.constant -3.000000e+38 : f32
    %broadcast_in_dim3A_335 = vector.broadcast %broadcast_in_dim3A_334 : f32 to vector<16384xf32>
    %concatenate3A_336 = tpu.concatenate %slice3A_333, %broadcast_in_dim3A_335 in 0 : vector<33616xf32>, vector<16384xf32> -> vector<50000xf32>
    %slice3A_337 = vector.extract_strided_slice %get3A_8 {offsets = [16384], sizes = [33616], strides = [1]} : vector<50000xi32> to vector<33616xi32>
    %broadcast_in_dim3A_338 = arith.constant -1 : i32
    %broadcast_in_dim3A_339 = vector.broadcast %broadcast_in_dim3A_338 : i32 to vector<16384xi32>
    %concatenate3A_340 = tpu.concatenate %slice3A_337, %broadcast_in_dim3A_339 in 0 : vector<33616xi32>, vector<16384xi32> -> vector<50000xi32>
    %eq3A_341 = arith.cmpi eq, %concatenate3A_340, %get3A_8 : vector<50000xi32>
    %max3A_342 = arith.maximumf %select_n3A_332, %concatenate3A_336 : vector<50000xf32>
    %select_n3A_343 = arith.select %eq3A_341, %max3A_342, %select_n3A_332 : vector<50000xi1>, vector<50000xf32>
    %slice3A_344 = vector.extract_strided_slice %select_n3A_343 {offsets = [32768], sizes = [17232], strides = [1]} : vector<50000xf32> to vector<17232xf32>
    %broadcast_in_dim3A_345 = arith.constant -3.000000e+38 : f32
    %broadcast_in_dim3A_346 = vector.broadcast %broadcast_in_dim3A_345 : f32 to vector<32768xf32>
    %concatenate3A_347 = tpu.concatenate %slice3A_344, %broadcast_in_dim3A_346 in 0 : vector<17232xf32>, vector<32768xf32> -> vector<50000xf32>
    %slice3A_348 = vector.extract_strided_slice %get3A_8 {offsets = [32768], sizes = [17232], strides = [1]} : vector<50000xi32> to vector<17232xi32>
    %broadcast_in_dim3A_349 = arith.constant -1 : i32
    %broadcast_in_dim3A_350 = vector.broadcast %broadcast_in_dim3A_349 : i32 to vector<32768xi32>
    %concatenate3A_351 = tpu.concatenate %slice3A_348, %broadcast_in_dim3A_350 in 0 : vector<17232xi32>, vector<32768xi32> -> vector<50000xi32>
    %eq3A_352 = arith.cmpi eq, %concatenate3A_351, %get3A_8 : vector<50000xi32>
    %max3A_353 = arith.maximumf %select_n3A_343, %concatenate3A_347 : vector<50000xf32>
    %select_n3A_354 = arith.select %eq3A_352, %max3A_353, %select_n3A_343 : vector<50000xi1>, vector<50000xf32>
    %max3A_355 = arith.maximumf %select_n3A_178, %select_n3A_354 : vector<50000xf32>
    %broadcast_in_dim3A_356 = arith.constant 1 : i32
    %broadcast_in_dim3A_357 = vector.broadcast %broadcast_in_dim3A_356 : i32 to vector<50000xi32>
    %broadcast_in_dim3A_358 = arith.constant 0 : i32
    %broadcast_in_dim3A_359 = vector.broadcast %broadcast_in_dim3A_358 : i32 to vector<1xi32>
    %slice3A_360 = vector.extract_strided_slice %broadcast_in_dim3A_357 {offsets = [0], sizes = [49999], strides = [1]} : vector<50000xi32> to vector<49999xi32>
    %concatenate3A_361 = tpu.concatenate %broadcast_in_dim3A_359, %slice3A_360 in 0 : vector<1xi32>, vector<49999xi32> -> vector<50000xi32>
    %broadcast_in_dim3A_362 = arith.constant -1 : i32
    %broadcast_in_dim3A_363 = vector.broadcast %broadcast_in_dim3A_362 : i32 to vector<1xi32>
    %slice3A_364 = vector.extract_strided_slice %get3A_8 {offsets = [0], sizes = [49999], strides = [1]} : vector<50000xi32> to vector<49999xi32>
    %concatenate3A_365 = tpu.concatenate %broadcast_in_dim3A_363, %slice3A_364 in 0 : vector<1xi32>, vector<49999xi32> -> vector<50000xi32>
    %eq3A_366 = arith.cmpi eq, %concatenate3A_365, %get3A_8 : vector<50000xi32>
    %add3A_367 = arith.addi %broadcast_in_dim3A_357, %concatenate3A_361 : vector<50000xi32>
    %select_n3A_368 = arith.select %eq3A_366, %add3A_367, %broadcast_in_dim3A_357 : vector<50000xi1>, vector<50000xi32>
    %broadcast_in_dim3A_369 = arith.constant 0 : i32
    %broadcast_in_dim3A_370 = vector.broadcast %broadcast_in_dim3A_369 : i32 to vector<2xi32>
    %slice3A_371 = vector.extract_strided_slice %select_n3A_368 {offsets = [0], sizes = [49998], strides = [1]} : vector<50000xi32> to vector<49998xi32>
    %concatenate3A_372 = tpu.concatenate %broadcast_in_dim3A_370, %slice3A_371 in 0 : vector<2xi32>, vector<49998xi32> -> vector<50000xi32>
    %broadcast_in_dim3A_373 = arith.constant -1 : i32
    %broadcast_in_dim3A_374 = vector.broadcast %broadcast_in_dim3A_373 : i32 to vector<2xi32>
    %slice3A_375 = vector.extract_strided_slice %get3A_8 {offsets = [0], sizes = [49998], strides = [1]} : vector<50000xi32> to vector<49998xi32>
    %concatenate3A_376 = tpu.concatenate %broadcast_in_dim3A_374, %slice3A_375 in 0 : vector<2xi32>, vector<49998xi32> -> vector<50000xi32>
    %eq3A_377 = arith.cmpi eq, %concatenate3A_376, %get3A_8 : vector<50000xi32>
    %add3A_378 = arith.addi %select_n3A_368, %concatenate3A_372 : vector<50000xi32>
    %select_n3A_379 = arith.select %eq3A_377, %add3A_378, %select_n3A_368 : vector<50000xi1>, vector<50000xi32>
    %broadcast_in_dim3A_380 = arith.constant 0 : i32
    %broadcast_in_dim3A_381 = vector.broadcast %broadcast_in_dim3A_380 : i32 to vector<4xi32>
    %slice3A_382 = vector.extract_strided_slice %select_n3A_379 {offsets = [0], sizes = [49996], strides = [1]} : vector<50000xi32> to vector<49996xi32>
    %concatenate3A_383 = tpu.concatenate %broadcast_in_dim3A_381, %slice3A_382 in 0 : vector<4xi32>, vector<49996xi32> -> vector<50000xi32>
    %broadcast_in_dim3A_384 = arith.constant -1 : i32
    %broadcast_in_dim3A_385 = vector.broadcast %broadcast_in_dim3A_384 : i32 to vector<4xi32>
    %slice3A_386 = vector.extract_strided_slice %get3A_8 {offsets = [0], sizes = [49996], strides = [1]} : vector<50000xi32> to vector<49996xi32>
    %concatenate3A_387 = tpu.concatenate %broadcast_in_dim3A_385, %slice3A_386 in 0 : vector<4xi32>, vector<49996xi32> -> vector<50000xi32>
    %eq3A_388 = arith.cmpi eq, %concatenate3A_387, %get3A_8 : vector<50000xi32>
    %add3A_389 = arith.addi %select_n3A_379, %concatenate3A_383 : vector<50000xi32>
    %select_n3A_390 = arith.select %eq3A_388, %add3A_389, %select_n3A_379 : vector<50000xi1>, vector<50000xi32>
    %broadcast_in_dim3A_391 = arith.constant 0 : i32
    %broadcast_in_dim3A_392 = vector.broadcast %broadcast_in_dim3A_391 : i32 to vector<8xi32>
    %slice3A_393 = vector.extract_strided_slice %select_n3A_390 {offsets = [0], sizes = [49992], strides = [1]} : vector<50000xi32> to vector<49992xi32>
    %concatenate3A_394 = tpu.concatenate %broadcast_in_dim3A_392, %slice3A_393 in 0 : vector<8xi32>, vector<49992xi32> -> vector<50000xi32>
    %broadcast_in_dim3A_395 = arith.constant -1 : i32
    %broadcast_in_dim3A_396 = vector.broadcast %broadcast_in_dim3A_395 : i32 to vector<8xi32>
    %slice3A_397 = vector.extract_strided_slice %get3A_8 {offsets = [0], sizes = [49992], strides = [1]} : vector<50000xi32> to vector<49992xi32>
    %concatenate3A_398 = tpu.concatenate %broadcast_in_dim3A_396, %slice3A_397 in 0 : vector<8xi32>, vector<49992xi32> -> vector<50000xi32>
    %eq3A_399 = arith.cmpi eq, %concatenate3A_398, %get3A_8 : vector<50000xi32>
    %add3A_400 = arith.addi %select_n3A_390, %concatenate3A_394 : vector<50000xi32>
    %select_n3A_401 = arith.select %eq3A_399, %add3A_400, %select_n3A_390 : vector<50000xi1>, vector<50000xi32>
    %broadcast_in_dim3A_402 = arith.constant 0 : i32
    %broadcast_in_dim3A_403 = vector.broadcast %broadcast_in_dim3A_402 : i32 to vector<16xi32>
    %slice3A_404 = vector.extract_strided_slice %select_n3A_401 {offsets = [0], sizes = [49984], strides = [1]} : vector<50000xi32> to vector<49984xi32>
    %concatenate3A_405 = tpu.concatenate %broadcast_in_dim3A_403, %slice3A_404 in 0 : vector<16xi32>, vector<49984xi32> -> vector<50000xi32>
    %broadcast_in_dim3A_406 = arith.constant -1 : i32
    %broadcast_in_dim3A_407 = vector.broadcast %broadcast_in_dim3A_406 : i32 to vector<16xi32>
    %slice3A_408 = vector.extract_strided_slice %get3A_8 {offsets = [0], sizes = [49984], strides = [1]} : vector<50000xi32> to vector<49984xi32>
    %concatenate3A_409 = tpu.concatenate %broadcast_in_dim3A_407, %slice3A_408 in 0 : vector<16xi32>, vector<49984xi32> -> vector<50000xi32>
    %eq3A_410 = arith.cmpi eq, %concatenate3A_409, %get3A_8 : vector<50000xi32>
    %add3A_411 = arith.addi %select_n3A_401, %concatenate3A_405 : vector<50000xi32>
    %select_n3A_412 = arith.select %eq3A_410, %add3A_411, %select_n3A_401 : vector<50000xi1>, vector<50000xi32>
    %broadcast_in_dim3A_413 = arith.constant 0 : i32
    %broadcast_in_dim3A_414 = vector.broadcast %broadcast_in_dim3A_413 : i32 to vector<32xi32>
    %slice3A_415 = vector.extract_strided_slice %select_n3A_412 {offsets = [0], sizes = [49968], strides = [1]} : vector<50000xi32> to vector<49968xi32>
    %concatenate3A_416 = tpu.concatenate %broadcast_in_dim3A_414, %slice3A_415 in 0 : vector<32xi32>, vector<49968xi32> -> vector<50000xi32>
    %broadcast_in_dim3A_417 = arith.constant -1 : i32
    %broadcast_in_dim3A_418 = vector.broadcast %broadcast_in_dim3A_417 : i32 to vector<32xi32>
    %slice3A_419 = vector.extract_strided_slice %get3A_8 {offsets = [0], sizes = [49968], strides = [1]} : vector<50000xi32> to vector<49968xi32>
    %concatenate3A_420 = tpu.concatenate %broadcast_in_dim3A_418, %slice3A_419 in 0 : vector<32xi32>, vector<49968xi32> -> vector<50000xi32>
    %eq3A_421 = arith.cmpi eq, %concatenate3A_420, %get3A_8 : vector<50000xi32>
    %add3A_422 = arith.addi %select_n3A_412, %concatenate3A_416 : vector<50000xi32>
    %select_n3A_423 = arith.select %eq3A_421, %add3A_422, %select_n3A_412 : vector<50000xi1>, vector<50000xi32>
    %broadcast_in_dim3A_424 = arith.constant 0 : i32
    %broadcast_in_dim3A_425 = vector.broadcast %broadcast_in_dim3A_424 : i32 to vector<64xi32>
    %slice3A_426 = vector.extract_strided_slice %select_n3A_423 {offsets = [0], sizes = [49936], strides = [1]} : vector<50000xi32> to vector<49936xi32>
    %concatenate3A_427 = tpu.concatenate %broadcast_in_dim3A_425, %slice3A_426 in 0 : vector<64xi32>, vector<49936xi32> -> vector<50000xi32>
    %broadcast_in_dim3A_428 = arith.constant -1 : i32
    %broadcast_in_dim3A_429 = vector.broadcast %broadcast_in_dim3A_428 : i32 to vector<64xi32>
    %slice3A_430 = vector.extract_strided_slice %get3A_8 {offsets = [0], sizes = [49936], strides = [1]} : vector<50000xi32> to vector<49936xi32>
    %concatenate3A_431 = tpu.concatenate %broadcast_in_dim3A_429, %slice3A_430 in 0 : vector<64xi32>, vector<49936xi32> -> vector<50000xi32>
    %eq3A_432 = arith.cmpi eq, %concatenate3A_431, %get3A_8 : vector<50000xi32>
    %add3A_433 = arith.addi %select_n3A_423, %concatenate3A_427 : vector<50000xi32>
    %select_n3A_434 = arith.select %eq3A_432, %add3A_433, %select_n3A_423 : vector<50000xi1>, vector<50000xi32>
    %broadcast_in_dim3A_435 = arith.constant 0 : i32
    %broadcast_in_dim3A_436 = vector.broadcast %broadcast_in_dim3A_435 : i32 to vector<128xi32>
    %slice3A_437 = vector.extract_strided_slice %select_n3A_434 {offsets = [0], sizes = [49872], strides = [1]} : vector<50000xi32> to vector<49872xi32>
    %concatenate3A_438 = tpu.concatenate %broadcast_in_dim3A_436, %slice3A_437 in 0 : vector<128xi32>, vector<49872xi32> -> vector<50000xi32>
    %broadcast_in_dim3A_439 = arith.constant -1 : i32
    %broadcast_in_dim3A_440 = vector.broadcast %broadcast_in_dim3A_439 : i32 to vector<128xi32>
    %slice3A_441 = vector.extract_strided_slice %get3A_8 {offsets = [0], sizes = [49872], strides = [1]} : vector<50000xi32> to vector<49872xi32>
    %concatenate3A_442 = tpu.concatenate %broadcast_in_dim3A_440, %slice3A_441 in 0 : vector<128xi32>, vector<49872xi32> -> vector<50000xi32>
    %eq3A_443 = arith.cmpi eq, %concatenate3A_442, %get3A_8 : vector<50000xi32>
    %add3A_444 = arith.addi %select_n3A_434, %concatenate3A_438 : vector<50000xi32>
    %select_n3A_445 = arith.select %eq3A_443, %add3A_444, %select_n3A_434 : vector<50000xi1>, vector<50000xi32>
    %broadcast_in_dim3A_446 = arith.constant 0 : i32
    %broadcast_in_dim3A_447 = vector.broadcast %broadcast_in_dim3A_446 : i32 to vector<256xi32>
    %slice3A_448 = vector.extract_strided_slice %select_n3A_445 {offsets = [0], sizes = [49744], strides = [1]} : vector<50000xi32> to vector<49744xi32>
    %concatenate3A_449 = tpu.concatenate %broadcast_in_dim3A_447, %slice3A_448 in 0 : vector<256xi32>, vector<49744xi32> -> vector<50000xi32>
    %broadcast_in_dim3A_450 = arith.constant -1 : i32
    %broadcast_in_dim3A_451 = vector.broadcast %broadcast_in_dim3A_450 : i32 to vector<256xi32>
    %slice3A_452 = vector.extract_strided_slice %get3A_8 {offsets = [0], sizes = [49744], strides = [1]} : vector<50000xi32> to vector<49744xi32>
    %concatenate3A_453 = tpu.concatenate %broadcast_in_dim3A_451, %slice3A_452 in 0 : vector<256xi32>, vector<49744xi32> -> vector<50000xi32>
    %eq3A_454 = arith.cmpi eq, %concatenate3A_453, %get3A_8 : vector<50000xi32>
    %add3A_455 = arith.addi %select_n3A_445, %concatenate3A_449 : vector<50000xi32>
    %select_n3A_456 = arith.select %eq3A_454, %add3A_455, %select_n3A_445 : vector<50000xi1>, vector<50000xi32>
    %broadcast_in_dim3A_457 = arith.constant 0 : i32
    %broadcast_in_dim3A_458 = vector.broadcast %broadcast_in_dim3A_457 : i32 to vector<512xi32>
    %slice3A_459 = vector.extract_strided_slice %select_n3A_456 {offsets = [0], sizes = [49488], strides = [1]} : vector<50000xi32> to vector<49488xi32>
    %concatenate3A_460 = tpu.concatenate %broadcast_in_dim3A_458, %slice3A_459 in 0 : vector<512xi32>, vector<49488xi32> -> vector<50000xi32>
    %broadcast_in_dim3A_461 = arith.constant -1 : i32
    %broadcast_in_dim3A_462 = vector.broadcast %broadcast_in_dim3A_461 : i32 to vector<512xi32>
    %slice3A_463 = vector.extract_strided_slice %get3A_8 {offsets = [0], sizes = [49488], strides = [1]} : vector<50000xi32> to vector<49488xi32>
    %concatenate3A_464 = tpu.concatenate %broadcast_in_dim3A_462, %slice3A_463 in 0 : vector<512xi32>, vector<49488xi32> -> vector<50000xi32>
    %eq3A_465 = arith.cmpi eq, %concatenate3A_464, %get3A_8 : vector<50000xi32>
    %add3A_466 = arith.addi %select_n3A_456, %concatenate3A_460 : vector<50000xi32>
    %select_n3A_467 = arith.select %eq3A_465, %add3A_466, %select_n3A_456 : vector<50000xi1>, vector<50000xi32>
    %broadcast_in_dim3A_468 = arith.constant 0 : i32
    %broadcast_in_dim3A_469 = vector.broadcast %broadcast_in_dim3A_468 : i32 to vector<1024xi32>
    %slice3A_470 = vector.extract_strided_slice %select_n3A_467 {offsets = [0], sizes = [48976], strides = [1]} : vector<50000xi32> to vector<48976xi32>
    %concatenate3A_471 = tpu.concatenate %broadcast_in_dim3A_469, %slice3A_470 in 0 : vector<1024xi32>, vector<48976xi32> -> vector<50000xi32>
    %broadcast_in_dim3A_472 = arith.constant -1 : i32
    %broadcast_in_dim3A_473 = vector.broadcast %broadcast_in_dim3A_472 : i32 to vector<1024xi32>
    %slice3A_474 = vector.extract_strided_slice %get3A_8 {offsets = [0], sizes = [48976], strides = [1]} : vector<50000xi32> to vector<48976xi32>
    %concatenate3A_475 = tpu.concatenate %broadcast_in_dim3A_473, %slice3A_474 in 0 : vector<1024xi32>, vector<48976xi32> -> vector<50000xi32>
    %eq3A_476 = arith.cmpi eq, %concatenate3A_475, %get3A_8 : vector<50000xi32>
    %add3A_477 = arith.addi %select_n3A_467, %concatenate3A_471 : vector<50000xi32>
    %select_n3A_478 = arith.select %eq3A_476, %add3A_477, %select_n3A_467 : vector<50000xi1>, vector<50000xi32>
    %broadcast_in_dim3A_479 = arith.constant 0 : i32
    %broadcast_in_dim3A_480 = vector.broadcast %broadcast_in_dim3A_479 : i32 to vector<2048xi32>
    %slice3A_481 = vector.extract_strided_slice %select_n3A_478 {offsets = [0], sizes = [47952], strides = [1]} : vector<50000xi32> to vector<47952xi32>
    %concatenate3A_482 = tpu.concatenate %broadcast_in_dim3A_480, %slice3A_481 in 0 : vector<2048xi32>, vector<47952xi32> -> vector<50000xi32>
    %broadcast_in_dim3A_483 = arith.constant -1 : i32
    %broadcast_in_dim3A_484 = vector.broadcast %broadcast_in_dim3A_483 : i32 to vector<2048xi32>
    %slice3A_485 = vector.extract_strided_slice %get3A_8 {offsets = [0], sizes = [47952], strides = [1]} : vector<50000xi32> to vector<47952xi32>
    %concatenate3A_486 = tpu.concatenate %broadcast_in_dim3A_484, %slice3A_485 in 0 : vector<2048xi32>, vector<47952xi32> -> vector<50000xi32>
    %eq3A_487 = arith.cmpi eq, %concatenate3A_486, %get3A_8 : vector<50000xi32>
    %add3A_488 = arith.addi %select_n3A_478, %concatenate3A_482 : vector<50000xi32>
    %select_n3A_489 = arith.select %eq3A_487, %add3A_488, %select_n3A_478 : vector<50000xi1>, vector<50000xi32>
    %broadcast_in_dim3A_490 = arith.constant 0 : i32
    %broadcast_in_dim3A_491 = vector.broadcast %broadcast_in_dim3A_490 : i32 to vector<4096xi32>
    %slice3A_492 = vector.extract_strided_slice %select_n3A_489 {offsets = [0], sizes = [45904], strides = [1]} : vector<50000xi32> to vector<45904xi32>
    %concatenate3A_493 = tpu.concatenate %broadcast_in_dim3A_491, %slice3A_492 in 0 : vector<4096xi32>, vector<45904xi32> -> vector<50000xi32>
    %broadcast_in_dim3A_494 = arith.constant -1 : i32
    %broadcast_in_dim3A_495 = vector.broadcast %broadcast_in_dim3A_494 : i32 to vector<4096xi32>
    %slice3A_496 = vector.extract_strided_slice %get3A_8 {offsets = [0], sizes = [45904], strides = [1]} : vector<50000xi32> to vector<45904xi32>
    %concatenate3A_497 = tpu.concatenate %broadcast_in_dim3A_495, %slice3A_496 in 0 : vector<4096xi32>, vector<45904xi32> -> vector<50000xi32>
    %eq3A_498 = arith.cmpi eq, %concatenate3A_497, %get3A_8 : vector<50000xi32>
    %add3A_499 = arith.addi %select_n3A_489, %concatenate3A_493 : vector<50000xi32>
    %select_n3A_500 = arith.select %eq3A_498, %add3A_499, %select_n3A_489 : vector<50000xi1>, vector<50000xi32>
    %broadcast_in_dim3A_501 = arith.constant 0 : i32
    %broadcast_in_dim3A_502 = vector.broadcast %broadcast_in_dim3A_501 : i32 to vector<8192xi32>
    %slice3A_503 = vector.extract_strided_slice %select_n3A_500 {offsets = [0], sizes = [41808], strides = [1]} : vector<50000xi32> to vector<41808xi32>
    %concatenate3A_504 = tpu.concatenate %broadcast_in_dim3A_502, %slice3A_503 in 0 : vector<8192xi32>, vector<41808xi32> -> vector<50000xi32>
    %broadcast_in_dim3A_505 = arith.constant -1 : i32
    %broadcast_in_dim3A_506 = vector.broadcast %broadcast_in_dim3A_505 : i32 to vector<8192xi32>
    %slice3A_507 = vector.extract_strided_slice %get3A_8 {offsets = [0], sizes = [41808], strides = [1]} : vector<50000xi32> to vector<41808xi32>
    %concatenate3A_508 = tpu.concatenate %broadcast_in_dim3A_506, %slice3A_507 in 0 : vector<8192xi32>, vector<41808xi32> -> vector<50000xi32>
    %eq3A_509 = arith.cmpi eq, %concatenate3A_508, %get3A_8 : vector<50000xi32>
    %add3A_510 = arith.addi %select_n3A_500, %concatenate3A_504 : vector<50000xi32>
    %select_n3A_511 = arith.select %eq3A_509, %add3A_510, %select_n3A_500 : vector<50000xi1>, vector<50000xi32>
    %broadcast_in_dim3A_512 = arith.constant 0 : i32
    %broadcast_in_dim3A_513 = vector.broadcast %broadcast_in_dim3A_512 : i32 to vector<16384xi32>
    %slice3A_514 = vector.extract_strided_slice %select_n3A_511 {offsets = [0], sizes = [33616], strides = [1]} : vector<50000xi32> to vector<33616xi32>
    %concatenate3A_515 = tpu.concatenate %broadcast_in_dim3A_513, %slice3A_514 in 0 : vector<16384xi32>, vector<33616xi32> -> vector<50000xi32>
    %broadcast_in_dim3A_516 = arith.constant -1 : i32
    %broadcast_in_dim3A_517 = vector.broadcast %broadcast_in_dim3A_516 : i32 to vector<16384xi32>
    %slice3A_518 = vector.extract_strided_slice %get3A_8 {offsets = [0], sizes = [33616], strides = [1]} : vector<50000xi32> to vector<33616xi32>
    %concatenate3A_519 = tpu.concatenate %broadcast_in_dim3A_517, %slice3A_518 in 0 : vector<16384xi32>, vector<33616xi32> -> vector<50000xi32>
    %eq3A_520 = arith.cmpi eq, %concatenate3A_519, %get3A_8 : vector<50000xi32>
    %add3A_521 = arith.addi %select_n3A_511, %concatenate3A_515 : vector<50000xi32>
    %select_n3A_522 = arith.select %eq3A_520, %add3A_521, %select_n3A_511 : vector<50000xi1>, vector<50000xi32>
    %broadcast_in_dim3A_523 = arith.constant 0 : i32
    %broadcast_in_dim3A_524 = vector.broadcast %broadcast_in_dim3A_523 : i32 to vector<32768xi32>
    %slice3A_525 = vector.extract_strided_slice %select_n3A_522 {offsets = [0], sizes = [17232], strides = [1]} : vector<50000xi32> to vector<17232xi32>
    %concatenate3A_526 = tpu.concatenate %broadcast_in_dim3A_524, %slice3A_525 in 0 : vector<32768xi32>, vector<17232xi32> -> vector<50000xi32>
    %broadcast_in_dim3A_527 = arith.constant -1 : i32
    %broadcast_in_dim3A_528 = vector.broadcast %broadcast_in_dim3A_527 : i32 to vector<32768xi32>
    %slice3A_529 = vector.extract_strided_slice %get3A_8 {offsets = [0], sizes = [17232], strides = [1]} : vector<50000xi32> to vector<17232xi32>
    %concatenate3A_530 = tpu.concatenate %broadcast_in_dim3A_528, %slice3A_529 in 0 : vector<32768xi32>, vector<17232xi32> -> vector<50000xi32>
    %eq3A_531 = arith.cmpi eq, %concatenate3A_530, %get3A_8 : vector<50000xi32>
    %add3A_532 = arith.addi %select_n3A_522, %concatenate3A_526 : vector<50000xi32>
    %select_n3A_533 = arith.select %eq3A_531, %add3A_532, %select_n3A_522 : vector<50000xi1>, vector<50000xi32>
    %sub3A = arith.constant 1 : i32
    %sub3A_534 = vector.broadcast %sub3A : i32 to vector<50000xi32>
    %sub3A_535 = arith.subi %select_n3A_533, %sub3A_534 : vector<50000xi32>
    %eq3A_536 = arith.cmpf oeq, %add3A, %max3A_355 : vector<50000xf32>
    %jit3A = arith.constant 50000 : i32
    %broadcast_in_dim3A_537 = vector.broadcast %jit3A : i32 to vector<50000xi32>
    %select_n3A_538 = arith.select %eq3A_536, %sub3A_535, %broadcast_in_dim3A_537 : vector<50000xi1>, vector<50000xi32>
    %broadcast_in_dim3A_539 = arith.constant 2147483647 : i32
    %broadcast_in_dim3A_540 = vector.broadcast %broadcast_in_dim3A_539 : i32 to vector<1xi32>
    %slice3A_541 = vector.extract_strided_slice %select_n3A_538 {offsets = [0], sizes = [49999], strides = [1]} : vector<50000xi32> to vector<49999xi32>
    %concatenate3A_542 = tpu.concatenate %broadcast_in_dim3A_540, %slice3A_541 in 0 : vector<1xi32>, vector<49999xi32> -> vector<50000xi32>
    %broadcast_in_dim3A_543 = arith.constant -1 : i32
    %broadcast_in_dim3A_544 = vector.broadcast %broadcast_in_dim3A_543 : i32 to vector<1xi32>
    %slice3A_545 = vector.extract_strided_slice %get3A_8 {offsets = [0], sizes = [49999], strides = [1]} : vector<50000xi32> to vector<49999xi32>
    %concatenate3A_546 = tpu.concatenate %broadcast_in_dim3A_544, %slice3A_545 in 0 : vector<1xi32>, vector<49999xi32> -> vector<50000xi32>
    %eq3A_547 = arith.cmpi eq, %concatenate3A_546, %get3A_8 : vector<50000xi32>
    %min3A = arith.minsi %select_n3A_538, %concatenate3A_542 : vector<50000xi32>
    %select_n3A_548 = arith.select %eq3A_547, %min3A, %select_n3A_538 : vector<50000xi1>, vector<50000xi32>
    %broadcast_in_dim3A_549 = arith.constant 2147483647 : i32
    %broadcast_in_dim3A_550 = vector.broadcast %broadcast_in_dim3A_549 : i32 to vector<2xi32>
    %slice3A_551 = vector.extract_strided_slice %select_n3A_548 {offsets = [0], sizes = [49998], strides = [1]} : vector<50000xi32> to vector<49998xi32>
    %concatenate3A_552 = tpu.concatenate %broadcast_in_dim3A_550, %slice3A_551 in 0 : vector<2xi32>, vector<49998xi32> -> vector<50000xi32>
    %broadcast_in_dim3A_553 = arith.constant -1 : i32
    %broadcast_in_dim3A_554 = vector.broadcast %broadcast_in_dim3A_553 : i32 to vector<2xi32>
    %slice3A_555 = vector.extract_strided_slice %get3A_8 {offsets = [0], sizes = [49998], strides = [1]} : vector<50000xi32> to vector<49998xi32>
    %concatenate3A_556 = tpu.concatenate %broadcast_in_dim3A_554, %slice3A_555 in 0 : vector<2xi32>, vector<49998xi32> -> vector<50000xi32>
    %eq3A_557 = arith.cmpi eq, %concatenate3A_556, %get3A_8 : vector<50000xi32>
    %min3A_558 = arith.minsi %select_n3A_548, %concatenate3A_552 : vector<50000xi32>
    %select_n3A_559 = arith.select %eq3A_557, %min3A_558, %select_n3A_548 : vector<50000xi1>, vector<50000xi32>
    %broadcast_in_dim3A_560 = arith.constant 2147483647 : i32
    %broadcast_in_dim3A_561 = vector.broadcast %broadcast_in_dim3A_560 : i32 to vector<4xi32>
    %slice3A_562 = vector.extract_strided_slice %select_n3A_559 {offsets = [0], sizes = [49996], strides = [1]} : vector<50000xi32> to vector<49996xi32>
    %concatenate3A_563 = tpu.concatenate %broadcast_in_dim3A_561, %slice3A_562 in 0 : vector<4xi32>, vector<49996xi32> -> vector<50000xi32>
    %broadcast_in_dim3A_564 = arith.constant -1 : i32
    %broadcast_in_dim3A_565 = vector.broadcast %broadcast_in_dim3A_564 : i32 to vector<4xi32>
    %slice3A_566 = vector.extract_strided_slice %get3A_8 {offsets = [0], sizes = [49996], strides = [1]} : vector<50000xi32> to vector<49996xi32>
    %concatenate3A_567 = tpu.concatenate %broadcast_in_dim3A_565, %slice3A_566 in 0 : vector<4xi32>, vector<49996xi32> -> vector<50000xi32>
    %eq3A_568 = arith.cmpi eq, %concatenate3A_567, %get3A_8 : vector<50000xi32>
    %min3A_569 = arith.minsi %select_n3A_559, %concatenate3A_563 : vector<50000xi32>
    %select_n3A_570 = arith.select %eq3A_568, %min3A_569, %select_n3A_559 : vector<50000xi1>, vector<50000xi32>
    %broadcast_in_dim3A_571 = arith.constant 2147483647 : i32
    %broadcast_in_dim3A_572 = vector.broadcast %broadcast_in_dim3A_571 : i32 to vector<8xi32>
    %slice3A_573 = vector.extract_strided_slice %select_n3A_570 {offsets = [0], sizes = [49992], strides = [1]} : vector<50000xi32> to vector<49992xi32>
    %concatenate3A_574 = tpu.concatenate %broadcast_in_dim3A_572, %slice3A_573 in 0 : vector<8xi32>, vector<49992xi32> -> vector<50000xi32>
    %broadcast_in_dim3A_575 = arith.constant -1 : i32
    %broadcast_in_dim3A_576 = vector.broadcast %broadcast_in_dim3A_575 : i32 to vector<8xi32>
    %slice3A_577 = vector.extract_strided_slice %get3A_8 {offsets = [0], sizes = [49992], strides = [1]} : vector<50000xi32> to vector<49992xi32>
    %concatenate3A_578 = tpu.concatenate %broadcast_in_dim3A_576, %slice3A_577 in 0 : vector<8xi32>, vector<49992xi32> -> vector<50000xi32>
    %eq3A_579 = arith.cmpi eq, %concatenate3A_578, %get3A_8 : vector<50000xi32>
    %min3A_580 = arith.minsi %select_n3A_570, %concatenate3A_574 : vector<50000xi32>
    %select_n3A_581 = arith.select %eq3A_579, %min3A_580, %select_n3A_570 : vector<50000xi1>, vector<50000xi32>
    %broadcast_in_dim3A_582 = arith.constant 2147483647 : i32
    %broadcast_in_dim3A_583 = vector.broadcast %broadcast_in_dim3A_582 : i32 to vector<16xi32>
    %slice3A_584 = vector.extract_strided_slice %select_n3A_581 {offsets = [0], sizes = [49984], strides = [1]} : vector<50000xi32> to vector<49984xi32>
    %concatenate3A_585 = tpu.concatenate %broadcast_in_dim3A_583, %slice3A_584 in 0 : vector<16xi32>, vector<49984xi32> -> vector<50000xi32>
    %broadcast_in_dim3A_586 = arith.constant -1 : i32
    %broadcast_in_dim3A_587 = vector.broadcast %broadcast_in_dim3A_586 : i32 to vector<16xi32>
    %slice3A_588 = vector.extract_strided_slice %get3A_8 {offsets = [0], sizes = [49984], strides = [1]} : vector<50000xi32> to vector<49984xi32>
    %concatenate3A_589 = tpu.concatenate %broadcast_in_dim3A_587, %slice3A_588 in 0 : vector<16xi32>, vector<49984xi32> -> vector<50000xi32>
    %eq3A_590 = arith.cmpi eq, %concatenate3A_589, %get3A_8 : vector<50000xi32>
    %min3A_591 = arith.minsi %select_n3A_581, %concatenate3A_585 : vector<50000xi32>
    %select_n3A_592 = arith.select %eq3A_590, %min3A_591, %select_n3A_581 : vector<50000xi1>, vector<50000xi32>
    %broadcast_in_dim3A_593 = arith.constant 2147483647 : i32
    %broadcast_in_dim3A_594 = vector.broadcast %broadcast_in_dim3A_593 : i32 to vector<32xi32>
    %slice3A_595 = vector.extract_strided_slice %select_n3A_592 {offsets = [0], sizes = [49968], strides = [1]} : vector<50000xi32> to vector<49968xi32>
    %concatenate3A_596 = tpu.concatenate %broadcast_in_dim3A_594, %slice3A_595 in 0 : vector<32xi32>, vector<49968xi32> -> vector<50000xi32>
    %broadcast_in_dim3A_597 = arith.constant -1 : i32
    %broadcast_in_dim3A_598 = vector.broadcast %broadcast_in_dim3A_597 : i32 to vector<32xi32>
    %slice3A_599 = vector.extract_strided_slice %get3A_8 {offsets = [0], sizes = [49968], strides = [1]} : vector<50000xi32> to vector<49968xi32>
    %concatenate3A_600 = tpu.concatenate %broadcast_in_dim3A_598, %slice3A_599 in 0 : vector<32xi32>, vector<49968xi32> -> vector<50000xi32>
    %eq3A_601 = arith.cmpi eq, %concatenate3A_600, %get3A_8 : vector<50000xi32>
    %min3A_602 = arith.minsi %select_n3A_592, %concatenate3A_596 : vector<50000xi32>
    %select_n3A_603 = arith.select %eq3A_601, %min3A_602, %select_n3A_592 : vector<50000xi1>, vector<50000xi32>
    %broadcast_in_dim3A_604 = arith.constant 2147483647 : i32
    %broadcast_in_dim3A_605 = vector.broadcast %broadcast_in_dim3A_604 : i32 to vector<64xi32>
    %slice3A_606 = vector.extract_strided_slice %select_n3A_603 {offsets = [0], sizes = [49936], strides = [1]} : vector<50000xi32> to vector<49936xi32>
    %concatenate3A_607 = tpu.concatenate %broadcast_in_dim3A_605, %slice3A_606 in 0 : vector<64xi32>, vector<49936xi32> -> vector<50000xi32>
    %broadcast_in_dim3A_608 = arith.constant -1 : i32
    %broadcast_in_dim3A_609 = vector.broadcast %broadcast_in_dim3A_608 : i32 to vector<64xi32>
    %slice3A_610 = vector.extract_strided_slice %get3A_8 {offsets = [0], sizes = [49936], strides = [1]} : vector<50000xi32> to vector<49936xi32>
    %concatenate3A_611 = tpu.concatenate %broadcast_in_dim3A_609, %slice3A_610 in 0 : vector<64xi32>, vector<49936xi32> -> vector<50000xi32>
    %eq3A_612 = arith.cmpi eq, %concatenate3A_611, %get3A_8 : vector<50000xi32>
    %min3A_613 = arith.minsi %select_n3A_603, %concatenate3A_607 : vector<50000xi32>
    %select_n3A_614 = arith.select %eq3A_612, %min3A_613, %select_n3A_603 : vector<50000xi1>, vector<50000xi32>
    %broadcast_in_dim3A_615 = arith.constant 2147483647 : i32
    %broadcast_in_dim3A_616 = vector.broadcast %broadcast_in_dim3A_615 : i32 to vector<128xi32>
    %slice3A_617 = vector.extract_strided_slice %select_n3A_614 {offsets = [0], sizes = [49872], strides = [1]} : vector<50000xi32> to vector<49872xi32>
    %concatenate3A_618 = tpu.concatenate %broadcast_in_dim3A_616, %slice3A_617 in 0 : vector<128xi32>, vector<49872xi32> -> vector<50000xi32>
    %broadcast_in_dim3A_619 = arith.constant -1 : i32
    %broadcast_in_dim3A_620 = vector.broadcast %broadcast_in_dim3A_619 : i32 to vector<128xi32>
    %slice3A_621 = vector.extract_strided_slice %get3A_8 {offsets = [0], sizes = [49872], strides = [1]} : vector<50000xi32> to vector<49872xi32>
    %concatenate3A_622 = tpu.concatenate %broadcast_in_dim3A_620, %slice3A_621 in 0 : vector<128xi32>, vector<49872xi32> -> vector<50000xi32>
    %eq3A_623 = arith.cmpi eq, %concatenate3A_622, %get3A_8 : vector<50000xi32>
    %min3A_624 = arith.minsi %select_n3A_614, %concatenate3A_618 : vector<50000xi32>
    %select_n3A_625 = arith.select %eq3A_623, %min3A_624, %select_n3A_614 : vector<50000xi1>, vector<50000xi32>
    %broadcast_in_dim3A_626 = arith.constant 2147483647 : i32
    %broadcast_in_dim3A_627 = vector.broadcast %broadcast_in_dim3A_626 : i32 to vector<256xi32>
    %slice3A_628 = vector.extract_strided_slice %select_n3A_625 {offsets = [0], sizes = [49744], strides = [1]} : vector<50000xi32> to vector<49744xi32>
    %concatenate3A_629 = tpu.concatenate %broadcast_in_dim3A_627, %slice3A_628 in 0 : vector<256xi32>, vector<49744xi32> -> vector<50000xi32>
    %broadcast_in_dim3A_630 = arith.constant -1 : i32
    %broadcast_in_dim3A_631 = vector.broadcast %broadcast_in_dim3A_630 : i32 to vector<256xi32>
    %slice3A_632 = vector.extract_strided_slice %get3A_8 {offsets = [0], sizes = [49744], strides = [1]} : vector<50000xi32> to vector<49744xi32>
    %concatenate3A_633 = tpu.concatenate %broadcast_in_dim3A_631, %slice3A_632 in 0 : vector<256xi32>, vector<49744xi32> -> vector<50000xi32>
    %eq3A_634 = arith.cmpi eq, %concatenate3A_633, %get3A_8 : vector<50000xi32>
    %min3A_635 = arith.minsi %select_n3A_625, %concatenate3A_629 : vector<50000xi32>
    %select_n3A_636 = arith.select %eq3A_634, %min3A_635, %select_n3A_625 : vector<50000xi1>, vector<50000xi32>
    %broadcast_in_dim3A_637 = arith.constant 2147483647 : i32
    %broadcast_in_dim3A_638 = vector.broadcast %broadcast_in_dim3A_637 : i32 to vector<512xi32>
    %slice3A_639 = vector.extract_strided_slice %select_n3A_636 {offsets = [0], sizes = [49488], strides = [1]} : vector<50000xi32> to vector<49488xi32>
    %concatenate3A_640 = tpu.concatenate %broadcast_in_dim3A_638, %slice3A_639 in 0 : vector<512xi32>, vector<49488xi32> -> vector<50000xi32>
    %broadcast_in_dim3A_641 = arith.constant -1 : i32
    %broadcast_in_dim3A_642 = vector.broadcast %broadcast_in_dim3A_641 : i32 to vector<512xi32>
    %slice3A_643 = vector.extract_strided_slice %get3A_8 {offsets = [0], sizes = [49488], strides = [1]} : vector<50000xi32> to vector<49488xi32>
    %concatenate3A_644 = tpu.concatenate %broadcast_in_dim3A_642, %slice3A_643 in 0 : vector<512xi32>, vector<49488xi32> -> vector<50000xi32>
    %eq3A_645 = arith.cmpi eq, %concatenate3A_644, %get3A_8 : vector<50000xi32>
    %min3A_646 = arith.minsi %select_n3A_636, %concatenate3A_640 : vector<50000xi32>
    %select_n3A_647 = arith.select %eq3A_645, %min3A_646, %select_n3A_636 : vector<50000xi1>, vector<50000xi32>
    %broadcast_in_dim3A_648 = arith.constant 2147483647 : i32
    %broadcast_in_dim3A_649 = vector.broadcast %broadcast_in_dim3A_648 : i32 to vector<1024xi32>
    %slice3A_650 = vector.extract_strided_slice %select_n3A_647 {offsets = [0], sizes = [48976], strides = [1]} : vector<50000xi32> to vector<48976xi32>
    %concatenate3A_651 = tpu.concatenate %broadcast_in_dim3A_649, %slice3A_650 in 0 : vector<1024xi32>, vector<48976xi32> -> vector<50000xi32>
    %broadcast_in_dim3A_652 = arith.constant -1 : i32
    %broadcast_in_dim3A_653 = vector.broadcast %broadcast_in_dim3A_652 : i32 to vector<1024xi32>
    %slice3A_654 = vector.extract_strided_slice %get3A_8 {offsets = [0], sizes = [48976], strides = [1]} : vector<50000xi32> to vector<48976xi32>
    %concatenate3A_655 = tpu.concatenate %broadcast_in_dim3A_653, %slice3A_654 in 0 : vector<1024xi32>, vector<48976xi32> -> vector<50000xi32>
    %eq3A_656 = arith.cmpi eq, %concatenate3A_655, %get3A_8 : vector<50000xi32>
    %min3A_657 = arith.minsi %select_n3A_647, %concatenate3A_651 : vector<50000xi32>
    %select_n3A_658 = arith.select %eq3A_656, %min3A_657, %select_n3A_647 : vector<50000xi1>, vector<50000xi32>
    %broadcast_in_dim3A_659 = arith.constant 2147483647 : i32
    %broadcast_in_dim3A_660 = vector.broadcast %broadcast_in_dim3A_659 : i32 to vector<2048xi32>
    %slice3A_661 = vector.extract_strided_slice %select_n3A_658 {offsets = [0], sizes = [47952], strides = [1]} : vector<50000xi32> to vector<47952xi32>
    %concatenate3A_662 = tpu.concatenate %broadcast_in_dim3A_660, %slice3A_661 in 0 : vector<2048xi32>, vector<47952xi32> -> vector<50000xi32>
    %broadcast_in_dim3A_663 = arith.constant -1 : i32
    %broadcast_in_dim3A_664 = vector.broadcast %broadcast_in_dim3A_663 : i32 to vector<2048xi32>
    %slice3A_665 = vector.extract_strided_slice %get3A_8 {offsets = [0], sizes = [47952], strides = [1]} : vector<50000xi32> to vector<47952xi32>
    %concatenate3A_666 = tpu.concatenate %broadcast_in_dim3A_664, %slice3A_665 in 0 : vector<2048xi32>, vector<47952xi32> -> vector<50000xi32>
    %eq3A_667 = arith.cmpi eq, %concatenate3A_666, %get3A_8 : vector<50000xi32>
    %min3A_668 = arith.minsi %select_n3A_658, %concatenate3A_662 : vector<50000xi32>
    %select_n3A_669 = arith.select %eq3A_667, %min3A_668, %select_n3A_658 : vector<50000xi1>, vector<50000xi32>
    %broadcast_in_dim3A_670 = arith.constant 2147483647 : i32
    %broadcast_in_dim3A_671 = vector.broadcast %broadcast_in_dim3A_670 : i32 to vector<4096xi32>
    %slice3A_672 = vector.extract_strided_slice %select_n3A_669 {offsets = [0], sizes = [45904], strides = [1]} : vector<50000xi32> to vector<45904xi32>
    %concatenate3A_673 = tpu.concatenate %broadcast_in_dim3A_671, %slice3A_672 in 0 : vector<4096xi32>, vector<45904xi32> -> vector<50000xi32>
    %broadcast_in_dim3A_674 = arith.constant -1 : i32
    %broadcast_in_dim3A_675 = vector.broadcast %broadcast_in_dim3A_674 : i32 to vector<4096xi32>
    %slice3A_676 = vector.extract_strided_slice %get3A_8 {offsets = [0], sizes = [45904], strides = [1]} : vector<50000xi32> to vector<45904xi32>
    %concatenate3A_677 = tpu.concatenate %broadcast_in_dim3A_675, %slice3A_676 in 0 : vector<4096xi32>, vector<45904xi32> -> vector<50000xi32>
    %eq3A_678 = arith.cmpi eq, %concatenate3A_677, %get3A_8 : vector<50000xi32>
    %min3A_679 = arith.minsi %select_n3A_669, %concatenate3A_673 : vector<50000xi32>
    %select_n3A_680 = arith.select %eq3A_678, %min3A_679, %select_n3A_669 : vector<50000xi1>, vector<50000xi32>
    %broadcast_in_dim3A_681 = arith.constant 2147483647 : i32
    %broadcast_in_dim3A_682 = vector.broadcast %broadcast_in_dim3A_681 : i32 to vector<8192xi32>
    %slice3A_683 = vector.extract_strided_slice %select_n3A_680 {offsets = [0], sizes = [41808], strides = [1]} : vector<50000xi32> to vector<41808xi32>
    %concatenate3A_684 = tpu.concatenate %broadcast_in_dim3A_682, %slice3A_683 in 0 : vector<8192xi32>, vector<41808xi32> -> vector<50000xi32>
    %broadcast_in_dim3A_685 = arith.constant -1 : i32
    %broadcast_in_dim3A_686 = vector.broadcast %broadcast_in_dim3A_685 : i32 to vector<8192xi32>
    %slice3A_687 = vector.extract_strided_slice %get3A_8 {offsets = [0], sizes = [41808], strides = [1]} : vector<50000xi32> to vector<41808xi32>
    %concatenate3A_688 = tpu.concatenate %broadcast_in_dim3A_686, %slice3A_687 in 0 : vector<8192xi32>, vector<41808xi32> -> vector<50000xi32>
    %eq3A_689 = arith.cmpi eq, %concatenate3A_688, %get3A_8 : vector<50000xi32>
    %min3A_690 = arith.minsi %select_n3A_680, %concatenate3A_684 : vector<50000xi32>
    %select_n3A_691 = arith.select %eq3A_689, %min3A_690, %select_n3A_680 : vector<50000xi1>, vector<50000xi32>
    %broadcast_in_dim3A_692 = arith.constant 2147483647 : i32
    %broadcast_in_dim3A_693 = vector.broadcast %broadcast_in_dim3A_692 : i32 to vector<16384xi32>
    %slice3A_694 = vector.extract_strided_slice %select_n3A_691 {offsets = [0], sizes = [33616], strides = [1]} : vector<50000xi32> to vector<33616xi32>
    %concatenate3A_695 = tpu.concatenate %broadcast_in_dim3A_693, %slice3A_694 in 0 : vector<16384xi32>, vector<33616xi32> -> vector<50000xi32>
    %broadcast_in_dim3A_696 = arith.constant -1 : i32
    %broadcast_in_dim3A_697 = vector.broadcast %broadcast_in_dim3A_696 : i32 to vector<16384xi32>
    %slice3A_698 = vector.extract_strided_slice %get3A_8 {offsets = [0], sizes = [33616], strides = [1]} : vector<50000xi32> to vector<33616xi32>
    %concatenate3A_699 = tpu.concatenate %broadcast_in_dim3A_697, %slice3A_698 in 0 : vector<16384xi32>, vector<33616xi32> -> vector<50000xi32>
    %eq3A_700 = arith.cmpi eq, %concatenate3A_699, %get3A_8 : vector<50000xi32>
    %min3A_701 = arith.minsi %select_n3A_691, %concatenate3A_695 : vector<50000xi32>
    %select_n3A_702 = arith.select %eq3A_700, %min3A_701, %select_n3A_691 : vector<50000xi1>, vector<50000xi32>
    %broadcast_in_dim3A_703 = arith.constant 2147483647 : i32
    %broadcast_in_dim3A_704 = vector.broadcast %broadcast_in_dim3A_703 : i32 to vector<32768xi32>
    %slice3A_705 = vector.extract_strided_slice %select_n3A_702 {offsets = [0], sizes = [17232], strides = [1]} : vector<50000xi32> to vector<17232xi32>
    %concatenate3A_706 = tpu.concatenate %broadcast_in_dim3A_704, %slice3A_705 in 0 : vector<32768xi32>, vector<17232xi32> -> vector<50000xi32>
    %broadcast_in_dim3A_707 = arith.constant -1 : i32
    %broadcast_in_dim3A_708 = vector.broadcast %broadcast_in_dim3A_707 : i32 to vector<32768xi32>
    %slice3A_709 = vector.extract_strided_slice %get3A_8 {offsets = [0], sizes = [17232], strides = [1]} : vector<50000xi32> to vector<17232xi32>
    %concatenate3A_710 = tpu.concatenate %broadcast_in_dim3A_708, %slice3A_709 in 0 : vector<32768xi32>, vector<17232xi32> -> vector<50000xi32>
    %eq3A_711 = arith.cmpi eq, %concatenate3A_710, %get3A_8 : vector<50000xi32>
    %min3A_712 = arith.minsi %select_n3A_702, %concatenate3A_706 : vector<50000xi32>
    %select_n3A_713 = arith.select %eq3A_711, %min3A_712, %select_n3A_702 : vector<50000xi1>, vector<50000xi32>
    %slice3A_714 = vector.extract_strided_slice %select_n3A_538 {offsets = [1], sizes = [49999], strides = [1]} : vector<50000xi32> to vector<49999xi32>
    %broadcast_in_dim3A_715 = arith.constant 2147483647 : i32
    %broadcast_in_dim3A_716 = vector.broadcast %broadcast_in_dim3A_715 : i32 to vector<1xi32>
    %concatenate3A_717 = tpu.concatenate %slice3A_714, %broadcast_in_dim3A_716 in 0 : vector<49999xi32>, vector<1xi32> -> vector<50000xi32>
    %slice3A_718 = vector.extract_strided_slice %get3A_8 {offsets = [1], sizes = [49999], strides = [1]} : vector<50000xi32> to vector<49999xi32>
    %broadcast_in_dim3A_719 = arith.constant -1 : i32
    %broadcast_in_dim3A_720 = vector.broadcast %broadcast_in_dim3A_719 : i32 to vector<1xi32>
    %concatenate3A_721 = tpu.concatenate %slice3A_718, %broadcast_in_dim3A_720 in 0 : vector<49999xi32>, vector<1xi32> -> vector<50000xi32>
    %eq3A_722 = arith.cmpi eq, %concatenate3A_721, %get3A_8 : vector<50000xi32>
    %min3A_723 = arith.minsi %select_n3A_538, %concatenate3A_717 : vector<50000xi32>
    %select_n3A_724 = arith.select %eq3A_722, %min3A_723, %select_n3A_538 : vector<50000xi1>, vector<50000xi32>
    %slice3A_725 = vector.extract_strided_slice %select_n3A_724 {offsets = [2], sizes = [49998], strides = [1]} : vector<50000xi32> to vector<49998xi32>
    %broadcast_in_dim3A_726 = arith.constant 2147483647 : i32
    %broadcast_in_dim3A_727 = vector.broadcast %broadcast_in_dim3A_726 : i32 to vector<2xi32>
    %concatenate3A_728 = tpu.concatenate %slice3A_725, %broadcast_in_dim3A_727 in 0 : vector<49998xi32>, vector<2xi32> -> vector<50000xi32>
    %slice3A_729 = vector.extract_strided_slice %get3A_8 {offsets = [2], sizes = [49998], strides = [1]} : vector<50000xi32> to vector<49998xi32>
    %broadcast_in_dim3A_730 = arith.constant -1 : i32
    %broadcast_in_dim3A_731 = vector.broadcast %broadcast_in_dim3A_730 : i32 to vector<2xi32>
    %concatenate3A_732 = tpu.concatenate %slice3A_729, %broadcast_in_dim3A_731 in 0 : vector<49998xi32>, vector<2xi32> -> vector<50000xi32>
    %eq3A_733 = arith.cmpi eq, %concatenate3A_732, %get3A_8 : vector<50000xi32>
    %min3A_734 = arith.minsi %select_n3A_724, %concatenate3A_728 : vector<50000xi32>
    %select_n3A_735 = arith.select %eq3A_733, %min3A_734, %select_n3A_724 : vector<50000xi1>, vector<50000xi32>
    %slice3A_736 = vector.extract_strided_slice %select_n3A_735 {offsets = [4], sizes = [49996], strides = [1]} : vector<50000xi32> to vector<49996xi32>
    %broadcast_in_dim3A_737 = arith.constant 2147483647 : i32
    %broadcast_in_dim3A_738 = vector.broadcast %broadcast_in_dim3A_737 : i32 to vector<4xi32>
    %concatenate3A_739 = tpu.concatenate %slice3A_736, %broadcast_in_dim3A_738 in 0 : vector<49996xi32>, vector<4xi32> -> vector<50000xi32>
    %slice3A_740 = vector.extract_strided_slice %get3A_8 {offsets = [4], sizes = [49996], strides = [1]} : vector<50000xi32> to vector<49996xi32>
    %broadcast_in_dim3A_741 = arith.constant -1 : i32
    %broadcast_in_dim3A_742 = vector.broadcast %broadcast_in_dim3A_741 : i32 to vector<4xi32>
    %concatenate3A_743 = tpu.concatenate %slice3A_740, %broadcast_in_dim3A_742 in 0 : vector<49996xi32>, vector<4xi32> -> vector<50000xi32>
    %eq3A_744 = arith.cmpi eq, %concatenate3A_743, %get3A_8 : vector<50000xi32>
    %min3A_745 = arith.minsi %select_n3A_735, %concatenate3A_739 : vector<50000xi32>
    %select_n3A_746 = arith.select %eq3A_744, %min3A_745, %select_n3A_735 : vector<50000xi1>, vector<50000xi32>
    %slice3A_747 = vector.extract_strided_slice %select_n3A_746 {offsets = [8], sizes = [49992], strides = [1]} : vector<50000xi32> to vector<49992xi32>
    %broadcast_in_dim3A_748 = arith.constant 2147483647 : i32
    %broadcast_in_dim3A_749 = vector.broadcast %broadcast_in_dim3A_748 : i32 to vector<8xi32>
    %concatenate3A_750 = tpu.concatenate %slice3A_747, %broadcast_in_dim3A_749 in 0 : vector<49992xi32>, vector<8xi32> -> vector<50000xi32>
    %slice3A_751 = vector.extract_strided_slice %get3A_8 {offsets = [8], sizes = [49992], strides = [1]} : vector<50000xi32> to vector<49992xi32>
    %broadcast_in_dim3A_752 = arith.constant -1 : i32
    %broadcast_in_dim3A_753 = vector.broadcast %broadcast_in_dim3A_752 : i32 to vector<8xi32>
    %concatenate3A_754 = tpu.concatenate %slice3A_751, %broadcast_in_dim3A_753 in 0 : vector<49992xi32>, vector<8xi32> -> vector<50000xi32>
    %eq3A_755 = arith.cmpi eq, %concatenate3A_754, %get3A_8 : vector<50000xi32>
    %min3A_756 = arith.minsi %select_n3A_746, %concatenate3A_750 : vector<50000xi32>
    %select_n3A_757 = arith.select %eq3A_755, %min3A_756, %select_n3A_746 : vector<50000xi1>, vector<50000xi32>
    %slice3A_758 = vector.extract_strided_slice %select_n3A_757 {offsets = [16], sizes = [49984], strides = [1]} : vector<50000xi32> to vector<49984xi32>
    %broadcast_in_dim3A_759 = arith.constant 2147483647 : i32
    %broadcast_in_dim3A_760 = vector.broadcast %broadcast_in_dim3A_759 : i32 to vector<16xi32>
    %concatenate3A_761 = tpu.concatenate %slice3A_758, %broadcast_in_dim3A_760 in 0 : vector<49984xi32>, vector<16xi32> -> vector<50000xi32>
    %slice3A_762 = vector.extract_strided_slice %get3A_8 {offsets = [16], sizes = [49984], strides = [1]} : vector<50000xi32> to vector<49984xi32>
    %broadcast_in_dim3A_763 = arith.constant -1 : i32
    %broadcast_in_dim3A_764 = vector.broadcast %broadcast_in_dim3A_763 : i32 to vector<16xi32>
    %concatenate3A_765 = tpu.concatenate %slice3A_762, %broadcast_in_dim3A_764 in 0 : vector<49984xi32>, vector<16xi32> -> vector<50000xi32>
    %eq3A_766 = arith.cmpi eq, %concatenate3A_765, %get3A_8 : vector<50000xi32>
    %min3A_767 = arith.minsi %select_n3A_757, %concatenate3A_761 : vector<50000xi32>
    %select_n3A_768 = arith.select %eq3A_766, %min3A_767, %select_n3A_757 : vector<50000xi1>, vector<50000xi32>
    %slice3A_769 = vector.extract_strided_slice %select_n3A_768 {offsets = [32], sizes = [49968], strides = [1]} : vector<50000xi32> to vector<49968xi32>
    %broadcast_in_dim3A_770 = arith.constant 2147483647 : i32
    %broadcast_in_dim3A_771 = vector.broadcast %broadcast_in_dim3A_770 : i32 to vector<32xi32>
    %concatenate3A_772 = tpu.concatenate %slice3A_769, %broadcast_in_dim3A_771 in 0 : vector<49968xi32>, vector<32xi32> -> vector<50000xi32>
    %slice3A_773 = vector.extract_strided_slice %get3A_8 {offsets = [32], sizes = [49968], strides = [1]} : vector<50000xi32> to vector<49968xi32>
    %broadcast_in_dim3A_774 = arith.constant -1 : i32
    %broadcast_in_dim3A_775 = vector.broadcast %broadcast_in_dim3A_774 : i32 to vector<32xi32>
    %concatenate3A_776 = tpu.concatenate %slice3A_773, %broadcast_in_dim3A_775 in 0 : vector<49968xi32>, vector<32xi32> -> vector<50000xi32>
    %eq3A_777 = arith.cmpi eq, %concatenate3A_776, %get3A_8 : vector<50000xi32>
    %min3A_778 = arith.minsi %select_n3A_768, %concatenate3A_772 : vector<50000xi32>
    %select_n3A_779 = arith.select %eq3A_777, %min3A_778, %select_n3A_768 : vector<50000xi1>, vector<50000xi32>
    %slice3A_780 = vector.extract_strided_slice %select_n3A_779 {offsets = [64], sizes = [49936], strides = [1]} : vector<50000xi32> to vector<49936xi32>
    %broadcast_in_dim3A_781 = arith.constant 2147483647 : i32
    %broadcast_in_dim3A_782 = vector.broadcast %broadcast_in_dim3A_781 : i32 to vector<64xi32>
    %concatenate3A_783 = tpu.concatenate %slice3A_780, %broadcast_in_dim3A_782 in 0 : vector<49936xi32>, vector<64xi32> -> vector<50000xi32>
    %slice3A_784 = vector.extract_strided_slice %get3A_8 {offsets = [64], sizes = [49936], strides = [1]} : vector<50000xi32> to vector<49936xi32>
    %broadcast_in_dim3A_785 = arith.constant -1 : i32
    %broadcast_in_dim3A_786 = vector.broadcast %broadcast_in_dim3A_785 : i32 to vector<64xi32>
    %concatenate3A_787 = tpu.concatenate %slice3A_784, %broadcast_in_dim3A_786 in 0 : vector<49936xi32>, vector<64xi32> -> vector<50000xi32>
    %eq3A_788 = arith.cmpi eq, %concatenate3A_787, %get3A_8 : vector<50000xi32>
    %min3A_789 = arith.minsi %select_n3A_779, %concatenate3A_783 : vector<50000xi32>
    %select_n3A_790 = arith.select %eq3A_788, %min3A_789, %select_n3A_779 : vector<50000xi1>, vector<50000xi32>
    %slice3A_791 = vector.extract_strided_slice %select_n3A_790 {offsets = [128], sizes = [49872], strides = [1]} : vector<50000xi32> to vector<49872xi32>
    %broadcast_in_dim3A_792 = arith.constant 2147483647 : i32
    %broadcast_in_dim3A_793 = vector.broadcast %broadcast_in_dim3A_792 : i32 to vector<128xi32>
    %concatenate3A_794 = tpu.concatenate %slice3A_791, %broadcast_in_dim3A_793 in 0 : vector<49872xi32>, vector<128xi32> -> vector<50000xi32>
    %slice3A_795 = vector.extract_strided_slice %get3A_8 {offsets = [128], sizes = [49872], strides = [1]} : vector<50000xi32> to vector<49872xi32>
    %broadcast_in_dim3A_796 = arith.constant -1 : i32
    %broadcast_in_dim3A_797 = vector.broadcast %broadcast_in_dim3A_796 : i32 to vector<128xi32>
    %concatenate3A_798 = tpu.concatenate %slice3A_795, %broadcast_in_dim3A_797 in 0 : vector<49872xi32>, vector<128xi32> -> vector<50000xi32>
    %eq3A_799 = arith.cmpi eq, %concatenate3A_798, %get3A_8 : vector<50000xi32>
    %min3A_800 = arith.minsi %select_n3A_790, %concatenate3A_794 : vector<50000xi32>
    %select_n3A_801 = arith.select %eq3A_799, %min3A_800, %select_n3A_790 : vector<50000xi1>, vector<50000xi32>
    %slice3A_802 = vector.extract_strided_slice %select_n3A_801 {offsets = [256], sizes = [49744], strides = [1]} : vector<50000xi32> to vector<49744xi32>
    %broadcast_in_dim3A_803 = arith.constant 2147483647 : i32
    %broadcast_in_dim3A_804 = vector.broadcast %broadcast_in_dim3A_803 : i32 to vector<256xi32>
    %concatenate3A_805 = tpu.concatenate %slice3A_802, %broadcast_in_dim3A_804 in 0 : vector<49744xi32>, vector<256xi32> -> vector<50000xi32>
    %slice3A_806 = vector.extract_strided_slice %get3A_8 {offsets = [256], sizes = [49744], strides = [1]} : vector<50000xi32> to vector<49744xi32>
    %broadcast_in_dim3A_807 = arith.constant -1 : i32
    %broadcast_in_dim3A_808 = vector.broadcast %broadcast_in_dim3A_807 : i32 to vector<256xi32>
    %concatenate3A_809 = tpu.concatenate %slice3A_806, %broadcast_in_dim3A_808 in 0 : vector<49744xi32>, vector<256xi32> -> vector<50000xi32>
    %eq3A_810 = arith.cmpi eq, %concatenate3A_809, %get3A_8 : vector<50000xi32>
    %min3A_811 = arith.minsi %select_n3A_801, %concatenate3A_805 : vector<50000xi32>
    %select_n3A_812 = arith.select %eq3A_810, %min3A_811, %select_n3A_801 : vector<50000xi1>, vector<50000xi32>
    %slice3A_813 = vector.extract_strided_slice %select_n3A_812 {offsets = [512], sizes = [49488], strides = [1]} : vector<50000xi32> to vector<49488xi32>
    %broadcast_in_dim3A_814 = arith.constant 2147483647 : i32
    %broadcast_in_dim3A_815 = vector.broadcast %broadcast_in_dim3A_814 : i32 to vector<512xi32>
    %concatenate3A_816 = tpu.concatenate %slice3A_813, %broadcast_in_dim3A_815 in 0 : vector<49488xi32>, vector<512xi32> -> vector<50000xi32>
    %slice3A_817 = vector.extract_strided_slice %get3A_8 {offsets = [512], sizes = [49488], strides = [1]} : vector<50000xi32> to vector<49488xi32>
    %broadcast_in_dim3A_818 = arith.constant -1 : i32
    %broadcast_in_dim3A_819 = vector.broadcast %broadcast_in_dim3A_818 : i32 to vector<512xi32>
    %concatenate3A_820 = tpu.concatenate %slice3A_817, %broadcast_in_dim3A_819 in 0 : vector<49488xi32>, vector<512xi32> -> vector<50000xi32>
    %eq3A_821 = arith.cmpi eq, %concatenate3A_820, %get3A_8 : vector<50000xi32>
    %min3A_822 = arith.minsi %select_n3A_812, %concatenate3A_816 : vector<50000xi32>
    %select_n3A_823 = arith.select %eq3A_821, %min3A_822, %select_n3A_812 : vector<50000xi1>, vector<50000xi32>
    %slice3A_824 = vector.extract_strided_slice %select_n3A_823 {offsets = [1024], sizes = [48976], strides = [1]} : vector<50000xi32> to vector<48976xi32>
    %broadcast_in_dim3A_825 = arith.constant 2147483647 : i32
    %broadcast_in_dim3A_826 = vector.broadcast %broadcast_in_dim3A_825 : i32 to vector<1024xi32>
    %concatenate3A_827 = tpu.concatenate %slice3A_824, %broadcast_in_dim3A_826 in 0 : vector<48976xi32>, vector<1024xi32> -> vector<50000xi32>
    %slice3A_828 = vector.extract_strided_slice %get3A_8 {offsets = [1024], sizes = [48976], strides = [1]} : vector<50000xi32> to vector<48976xi32>
    %broadcast_in_dim3A_829 = arith.constant -1 : i32
    %broadcast_in_dim3A_830 = vector.broadcast %broadcast_in_dim3A_829 : i32 to vector<1024xi32>
    %concatenate3A_831 = tpu.concatenate %slice3A_828, %broadcast_in_dim3A_830 in 0 : vector<48976xi32>, vector<1024xi32> -> vector<50000xi32>
    %eq3A_832 = arith.cmpi eq, %concatenate3A_831, %get3A_8 : vector<50000xi32>
    %min3A_833 = arith.minsi %select_n3A_823, %concatenate3A_827 : vector<50000xi32>
    %select_n3A_834 = arith.select %eq3A_832, %min3A_833, %select_n3A_823 : vector<50000xi1>, vector<50000xi32>
    %slice3A_835 = vector.extract_strided_slice %select_n3A_834 {offsets = [2048], sizes = [47952], strides = [1]} : vector<50000xi32> to vector<47952xi32>
    %broadcast_in_dim3A_836 = arith.constant 2147483647 : i32
    %broadcast_in_dim3A_837 = vector.broadcast %broadcast_in_dim3A_836 : i32 to vector<2048xi32>
    %concatenate3A_838 = tpu.concatenate %slice3A_835, %broadcast_in_dim3A_837 in 0 : vector<47952xi32>, vector<2048xi32> -> vector<50000xi32>
    %slice3A_839 = vector.extract_strided_slice %get3A_8 {offsets = [2048], sizes = [47952], strides = [1]} : vector<50000xi32> to vector<47952xi32>
    %broadcast_in_dim3A_840 = arith.constant -1 : i32
    %broadcast_in_dim3A_841 = vector.broadcast %broadcast_in_dim3A_840 : i32 to vector<2048xi32>
    %concatenate3A_842 = tpu.concatenate %slice3A_839, %broadcast_in_dim3A_841 in 0 : vector<47952xi32>, vector<2048xi32> -> vector<50000xi32>
    %eq3A_843 = arith.cmpi eq, %concatenate3A_842, %get3A_8 : vector<50000xi32>
    %min3A_844 = arith.minsi %select_n3A_834, %concatenate3A_838 : vector<50000xi32>
    %select_n3A_845 = arith.select %eq3A_843, %min3A_844, %select_n3A_834 : vector<50000xi1>, vector<50000xi32>
    %slice3A_846 = vector.extract_strided_slice %select_n3A_845 {offsets = [4096], sizes = [45904], strides = [1]} : vector<50000xi32> to vector<45904xi32>
    %broadcast_in_dim3A_847 = arith.constant 2147483647 : i32
    %broadcast_in_dim3A_848 = vector.broadcast %broadcast_in_dim3A_847 : i32 to vector<4096xi32>
    %concatenate3A_849 = tpu.concatenate %slice3A_846, %broadcast_in_dim3A_848 in 0 : vector<45904xi32>, vector<4096xi32> -> vector<50000xi32>
    %slice3A_850 = vector.extract_strided_slice %get3A_8 {offsets = [4096], sizes = [45904], strides = [1]} : vector<50000xi32> to vector<45904xi32>
    %broadcast_in_dim3A_851 = arith.constant -1 : i32
    %broadcast_in_dim3A_852 = vector.broadcast %broadcast_in_dim3A_851 : i32 to vector<4096xi32>
    %concatenate3A_853 = tpu.concatenate %slice3A_850, %broadcast_in_dim3A_852 in 0 : vector<45904xi32>, vector<4096xi32> -> vector<50000xi32>
    %eq3A_854 = arith.cmpi eq, %concatenate3A_853, %get3A_8 : vector<50000xi32>
    %min3A_855 = arith.minsi %select_n3A_845, %concatenate3A_849 : vector<50000xi32>
    %select_n3A_856 = arith.select %eq3A_854, %min3A_855, %select_n3A_845 : vector<50000xi1>, vector<50000xi32>
    %slice3A_857 = vector.extract_strided_slice %select_n3A_856 {offsets = [8192], sizes = [41808], strides = [1]} : vector<50000xi32> to vector<41808xi32>
    %broadcast_in_dim3A_858 = arith.constant 2147483647 : i32
    %broadcast_in_dim3A_859 = vector.broadcast %broadcast_in_dim3A_858 : i32 to vector<8192xi32>
    %concatenate3A_860 = tpu.concatenate %slice3A_857, %broadcast_in_dim3A_859 in 0 : vector<41808xi32>, vector<8192xi32> -> vector<50000xi32>
    %slice3A_861 = vector.extract_strided_slice %get3A_8 {offsets = [8192], sizes = [41808], strides = [1]} : vector<50000xi32> to vector<41808xi32>
    %broadcast_in_dim3A_862 = arith.constant -1 : i32
    %broadcast_in_dim3A_863 = vector.broadcast %broadcast_in_dim3A_862 : i32 to vector<8192xi32>
    %concatenate3A_864 = tpu.concatenate %slice3A_861, %broadcast_in_dim3A_863 in 0 : vector<41808xi32>, vector<8192xi32> -> vector<50000xi32>
    %eq3A_865 = arith.cmpi eq, %concatenate3A_864, %get3A_8 : vector<50000xi32>
    %min3A_866 = arith.minsi %select_n3A_856, %concatenate3A_860 : vector<50000xi32>
    %select_n3A_867 = arith.select %eq3A_865, %min3A_866, %select_n3A_856 : vector<50000xi1>, vector<50000xi32>
    %slice3A_868 = vector.extract_strided_slice %select_n3A_867 {offsets = [16384], sizes = [33616], strides = [1]} : vector<50000xi32> to vector<33616xi32>
    %broadcast_in_dim3A_869 = arith.constant 2147483647 : i32
    %broadcast_in_dim3A_870 = vector.broadcast %broadcast_in_dim3A_869 : i32 to vector<16384xi32>
    %concatenate3A_871 = tpu.concatenate %slice3A_868, %broadcast_in_dim3A_870 in 0 : vector<33616xi32>, vector<16384xi32> -> vector<50000xi32>
    %slice3A_872 = vector.extract_strided_slice %get3A_8 {offsets = [16384], sizes = [33616], strides = [1]} : vector<50000xi32> to vector<33616xi32>
    %broadcast_in_dim3A_873 = arith.constant -1 : i32
    %broadcast_in_dim3A_874 = vector.broadcast %broadcast_in_dim3A_873 : i32 to vector<16384xi32>
    %concatenate3A_875 = tpu.concatenate %slice3A_872, %broadcast_in_dim3A_874 in 0 : vector<33616xi32>, vector<16384xi32> -> vector<50000xi32>
    %eq3A_876 = arith.cmpi eq, %concatenate3A_875, %get3A_8 : vector<50000xi32>
    %min3A_877 = arith.minsi %select_n3A_867, %concatenate3A_871 : vector<50000xi32>
    %select_n3A_878 = arith.select %eq3A_876, %min3A_877, %select_n3A_867 : vector<50000xi1>, vector<50000xi32>
    %slice3A_879 = vector.extract_strided_slice %select_n3A_878 {offsets = [32768], sizes = [17232], strides = [1]} : vector<50000xi32> to vector<17232xi32>
    %broadcast_in_dim3A_880 = arith.constant 2147483647 : i32
    %broadcast_in_dim3A_881 = vector.broadcast %broadcast_in_dim3A_880 : i32 to vector<32768xi32>
    %concatenate3A_882 = tpu.concatenate %slice3A_879, %broadcast_in_dim3A_881 in 0 : vector<17232xi32>, vector<32768xi32> -> vector<50000xi32>
    %slice3A_883 = vector.extract_strided_slice %get3A_8 {offsets = [32768], sizes = [17232], strides = [1]} : vector<50000xi32> to vector<17232xi32>
    %broadcast_in_dim3A_884 = arith.constant -1 : i32
    %broadcast_in_dim3A_885 = vector.broadcast %broadcast_in_dim3A_884 : i32 to vector<32768xi32>
    %concatenate3A_886 = tpu.concatenate %slice3A_883, %broadcast_in_dim3A_885 in 0 : vector<17232xi32>, vector<32768xi32> -> vector<50000xi32>
    %eq3A_887 = arith.cmpi eq, %concatenate3A_886, %get3A_8 : vector<50000xi32>
    %min3A_888 = arith.minsi %select_n3A_878, %concatenate3A_882 : vector<50000xi32>
    %select_n3A_889 = arith.select %eq3A_887, %min3A_888, %select_n3A_878 : vector<50000xi1>, vector<50000xi32>
    %min3A_890 = arith.minsi %select_n3A_713, %select_n3A_889 : vector<50000xi32>
    %swap3A = arith.constant 0 : index
    %swap3A_891 = vector.load %arg2[%swap3A] : memref<50000xi32, #tpu.memory_space<vmem>>, vector<50000xi32>
    tpu.vector_store %arg2[%swap3A], %min3A_890 {strides = array<i32>} : memref<50000xi32, #tpu.memory_space<vmem>>, vector<50000xi32>,
    return
  }
}

</mosaic_0001>

<sc_bundles>
// kernel: kernel.6.cloned.1.call-start
scs
__scs_entry_jumppad:
0x0: {  	(pc) =	sbr.rel $0x88, $3  }
0x1: {  	(tag) =	ssettag $0x0;
	lr =	simm.s32 $0x1  }
0x2: {  	[smem:$0x3F9D] =	sst lr;
	_ =	strace $0xD0000000  }
0x3: {  	_ = 	snop  }
0x4: {  	_ = 	snop  }
0x5: {  	_ = 	snop  }
0x6: {  	_ = 	snop  }
0x7: {  	_ = 	snop  }
__scs_overlays_trampoline_lowered:
0x8: {  	[smem:$0x3FAC] =	sst s0  }
0x9: {  	[smem:$0x3FAD] =	sst s1  }
0xa: {  	[smem:$0x3FAE] =	sst s2  }
0xb: {  	[smem:$0x3FAF] =	sst s3  }
0xc: {  	[smem:$0x3FB0] =	sst s4  }
0xd: {  	[smem:$0x3FB1] =	sst s5  }
0xe: {  	[smem:$0x3FB2] =	sst s6  }
0xf: {  	[smem:$0x3FB3] =	sst s7  }
0x10: {  	[smem:$0x3FB4] =	sst s8  }
0x11: {  	[smem:$0x3FB5] =	sst s9;
	s0 =	simm.s32 @!p0 $0x0  }
0x12: {  	s1 =	sld [smem:$0x3F9B];
	s0 =	simm.s32 @p0 $0x1  }
0x13: {  	[smem:$0x3FB6] =	sst s0;
	s0 =	simm.s32 @!p1 $0x0  }
0x14: {  	s2 =	sld [smem:$0x3F9A];
	s0 =	simm.s32 @p1 $0x1  }
0x15: {  	[smem:$0x3FB7] =	sst s0;
	s0 =	simm.s32 @!p2 $0x0  }
0x16: {  	s3 =	sld [smem:$0x3FDB];
	s0 =	simm.s32 @p2 $0x1  }
0x17: {  	s4 =	simm.s32 $0x1BF5;
	[smem:$0x3FB9] =	sst s0  }
0x18: {  	s0 =	sld [smem:$0x3F9C];
	_ =	swait.ge [sflag:s4], $0x0  }
0x19: {  	s7 =	sld [smem:$0x3F9D]  }
0x1a: {  	s8 =	sadd.s32 $0xFFFFE003, lr  }
0x1b: {  	s9 =	sadd.s32 $0xFFFFFEF7, lr;
	s5 =	simm.s32 $0xFFFFFFFF;
	p2 =	slt.u32 s8, $0xFFFFF086  }
0x1c: {  	p1 =	slt.u32 s9, $0xF7A;
	s5 =	simm.s32 @!p2 $0x0  }
0x1d: {  	s5 =	simm.s32 @p1 $0x1;
	p0 =	seq.s32 s7, s2  }
0x1e: {  	s7 =	smul.u32 @!p0 $0xF7A, s2;
	p2 =	seq.s32 @!p0 s5, $0x0  }
0x1f: {  	s9 =	smul.u32 $0xF7A, s1;
	s8 =	simm.s32 @!p0 $0x1BF5;
	p2 =	por !p2, p0  }
0x20: {  	[sflag:s8] =	ssyncset.s32 @!p0 $0xFFFFF086;
	s6 =	sadd.s32 @!p0 s3, s7;
	s7 =	simm.s32 @!p0 $0x108  }
0x21: {  	s3 =	sadd.s32 s3, s9;
	s6 =	sadd.s32 @!p0 $0x88, s6;
	s7 =	simm.s32 @p2 $0x1082  }
0x22: {  	[simem:s7], [sflag:s8] =	dma.local @!p0 [hbm:s6], $0xF7A  }
0x23: {  	s9 =	sor.u32 $0xD0000000, s2;
	s6 =	simm.s32 $0x108;
	_ =	swait.ge @!p0 [sflag:s8], $0x0  }
0x24: {  	s3 =	sadd.s32 $0x88, s3;
	s6 =	simm.s32 @!p1 $0x1082;
	[sflag:s4] =	ssyncset.s32 $0xFFFFF086  }
0x25: {  	[simem:s6], [sflag:s4] =	dma.local [hbm:s3], $0xF7A  }
0x26: {  	[smem:$0x3F9D] =	sst s1;
	(tag) =	ssettag s2;
	_ =	strace s9  }
0x27: {  	s1 =	sld [smem:$0x3FAD]  }
0x28: {  	s2 =	sld [smem:$0x3FAE]  }
0x29: {  	s4 =	sld [smem:$0x3FB0]  }
0x2a: {  	p0 =	seq.s32 s5, $0x0;
	s5 =	sld [smem:$0x3FB1]  }
0x2b: {  	s6 =	sld [smem:$0x3FB2]  }
0x2c: {  	s7 =	sld [smem:$0x3FB3]  }
0x2d: {  	s3 =	simm.s32 $0x108;
	s8 =	sld [smem:$0x3FB4]  }
0x2e: {  	s3 =	simm.s32 @!p0 $0x1082;
	s9 =	sld [smem:$0x3FB5]  }
0x2f: {  	lr =	sadd.s32 s0, s3;
	s0 =	sld [smem:$0x3FAC]  }
0x30: {  	s3 =	sld [smem:$0x3FAF]  }
0x31: {  	[smem:$0x3FB8] =	sst s10  }
0x32: {  	s10 =	sld [smem:$0x3FB6];
	_ =	sdelay $0x3  }
0x33: {  	p0 =	seq.s32 s10, $0x1;
	s10 =	sld [smem:$0x3FB8];
	_ =	sdelay $0x3  }
0x34: {  	[smem:$0x3FB8] =	sst s10  }
0x35: {  	s10 =	sld [smem:$0x3FB7];
	_ =	sdelay $0x3  }
0x36: {  	p1 =	seq.s32 s10, $0x1;
	s10 =	sld [smem:$0x3FB8];
	_ =	sdelay $0x3  }
0x37: {  	[smem:$0x3FB8] =	sst s10  }
0x38: {  	s10 =	sld [smem:$0x3FB9]  }
0x39: {  	_ = 	snop;
	(pc) =	sbr.ind lr, $3  }
0x3a: {  	_ = 	snop  }
0x3b: {  	_ = 	snop  }
0x3c: {  	p2 =	seq.s32 s10, $0x1;
	s10 =	sld [smem:$0x3FB8]  }
0x3d: {  	_ =	shalt  }
0x3e: {  	_ =	shalt  }
0x3f: {  	_ =	shalt  }
0x40: {  	_ =	shalt  }
0x41: {  	_ =	shalt  }
0x42: {  	_ =	shalt  }
0x43: {  	_ =	shalt  }
0x44: {  	_ =	shalt  }
0x45: {  	_ =	shalt  }
0x46: {  	_ =	shalt  }
0x47: {  	_ =	shalt  }
0x48: {  	_ =	shalt  }
0x49: {  	_ =	shalt  }
0x4a: {  	_ =	shalt  }
0x4b: {  	_ =	shalt  }
0x4c: {  	_ =	shalt  }
0x4d: {  	_ =	shalt  }
0x4e: {  	_ =	shalt  }
0x4f: {  	_ =	shalt  }
0x50: {  	_ =	shalt  }
0x51: {  	_ =	shalt  }
0x52: {  	_ =	shalt  }
0x53: {  	_ =	shalt  }
0x54: {  	_ =	shalt  }
0x55: {  	_ =	shalt  }
0x56: {  	_ =	shalt  }
0x57: {  	_ =	shalt  }
0x58: {  	_ =	shalt  }
0x59: {  	_ =	shalt  }
0x5a: {  	_ =	shalt  }
0x5b: {  	_ =	shalt  }
0x5c: {  	_ =	shalt  }
0x5d: {  	_ =	shalt  }
0x5e: {  	_ =	shalt  }
0x5f: {  	_ =	shalt  }
0x60: {  	_ =	shalt  }
0x61: {  	_ =	shalt  }
0x62: {  	_ =	shalt  }
0x63: {  	_ =	shalt  }
0x64: {  	_ =	shalt  }
0x65: {  	_ =	shalt  }
0x66: {  	_ =	shalt  }
0x67: {  	_ =	shalt  }
0x68: {  	_ =	shalt  }
0x69: {  	_ =	shalt  }
0x6a: {  	_ =	shalt  }
0x6b: {  	_ =	shalt  }
0x6c: {  	_ =	shalt  }
0x6d: {  	_ =	shalt  }
0x6e: {  	_ =	shalt  }
0x6f: {  	_ =	shalt  }
0x70: {  	_ =	shalt  }
0x71: {  	_ =	shalt  }
0x72: {  	_ =	shalt  }
0x73: {  	_ =	shalt  }
0x74: {  	_ =	shalt  }
0x75: {  	_ =	shalt  }
0x76: {  	_ =	shalt  }
0x77: {  	_ =	shalt  }
0x78: {  	_ =	shalt  }
0x79: {  	_ =	shalt  }
0x7a: {  	_ =	shalt  }
0x7b: {  	_ =	shalt  }
0x7c: {  	_ =	shalt  }
0x7d: {  	_ =	shalt  }
0x7e: {  	_ =	shalt  }
0x7f: {  	_ =	shalt  }
0x80: {  	_ =	shalt  }
0x81: {  	_ =	shalt  }
0x82: {  	_ =	shalt  }
0x83: {  	_ =	shalt  }
0x84: {  	_ =	shalt  }
0x85: {  	_ =	shalt  }
0x86: {  	_ =	shalt  }
0x87: {  	_ =	shalt  }
.Lfunc_end0:
.L_simem_size_0:
called_computation_lowered:
.L_overlay_start_0:
0x88: {  	s2 =	sld [smem:$0x3FD9]  }
0x89: {  	s3 =	sld [smem:$0x3FFE];
	_ =	sdelay $0x1  }
0x8a: {  	s1 =	srdreg.scid  }
0x8b: {  	s0 =	sand.u32 $0x1, s1  }
0x8c: {  	s17 =	sshll.u32 s0, $0xA;
	s2 =	sadd.s32 s3, s2  }
0x8d: {  	s2 =	sadd.s32 s2, s17  }
0x8e: {  	[smem:$0x3FC4] =	sst s2  }
0x8f: {  	_ = 	snop  }
0x90: {  	s2 =	sld [smem:$0x3FC8]  }
0x91: {  	s18 =	sld [smem:$0x3FC7];
	(tm) =	ssettm $0x1  }
0x92: {  	s4 =	sld [smem:$0x3FFB];
	_ =	sdelay $0x3  }
0x93: {  	_ =	strace s4  }
0x94: {  	s4 =	sld [smem:$0x3FFC];
	_ =	sdelay $0x3  }
0x95: {  	_ =	strace s4  }
0x96: {  	s4 =	sld [smem:$0x3FFD];
	_ =	sdelay $0x3  }
0x97: {  	_ =	strace s4  }
0x98: {  	_ =	strace $0x8FFFFFFF  }
0x99: {  	s19 =	sld [smem:$0x3FDB];
	_ =	sdelay $0x1  }
0x9a: {  	s5 =	simm.s32 $_scs_section_size  }
0x9b: {  	s6 =	simm.s32 $_size__tile_overlayer_lowered;
	s7 =	simm.s32 $_tile_overlayer_lowered  }
0x9c: {  	s22 =	simm.s32 $0x1BFF;
	s21 =	sshll.u32 s7, $0x1;
	s4 =	sadd.s32 s5, s19  }
0x9d: {  	s8 =	simm.s32 $0x0;
	s20 =	sshll.u32 s6, $0x1;
	s6 =	sadd.s32 s21, s4  }
0x9e: {  	[timem:s8], [sflag:s22] =	dma.local [hbm:s6], s20  }
0x9f: {  	_ =	swait.ge [sflag:s22], s20  }
0xa0: {  	s5 =	ssub.s32 $0x0, s20;
	[sflag:s22] =	ssyncset.done $0x0  }
0xa1: {  	[sflag:s22] =	ssyncadd.s32 s5;
	_ =	sdelay $0x1  }
0xa2: {  	s23 =	simm.s32 $0x1B8B  }
0xa3: {  	_ =	swait.ge [sflag:s23], $0x1  }
0xa4: {  	[sflag:s23] =	ssyncset.done $0x0  }
0xa5: {  	s25 =	simm.s32 $0x1B8E;
	s24 =	sld [smem:$0x3FFE];
	[sflag:s23] =	ssyncadd.s32 $0xFFFFFFFF  }
0xa6: {  	s26 =	simm.s32 $execute0_lowered;
	[smem:$0x3FD2] =	sst s25  }
0xa7: {  	s6 =	sshll.u32 s26, $0x1;
	_ =	strace $0x80000046;
	[dreg:$0x1] =	wrdreg $0xFFFFFFFF  }
0xa8: {  	s28 =	simm.s32 $_size_execute0_lowered;
	s4 =	sadd.s32 s4, s6;
	[dreg:$0x0] =	wrdreg $0x0  }
0xa9: {  	s6 =	sshll.u32 s28, $0x1;
	[dreg:$0x2] =	wrdreg s4  }
0xaa: {  	[dreg:$0x3] =	wrdreg s6  }
0xab: {  	[dreg:$0x4] =	wrdreg $0xC0  }
0xac: {  	_ =	task [dreg:s8], $0x5FFFF  }
0xad: {  	[dreg:$0x1] =	wrdreg $0xFFFFFFFF  }
0xae: {  	[dreg:$0x0] =	wrdreg $0x60  }
0xaf: {  	[dreg:$0x2] =	wrdreg s24  }
0xb0: {  	[dreg:$0x3] =	wrdreg s2  }
0xb1: {  	[dreg:$0x4] =	wrdreg s18  }
0xb2: {  	[dreg:$0x5] =	wrdreg $0x96000  }
0xb3: {  	[dreg:$0x6] =	wrdreg $0x9  }
0xb4: {  	_ =	task.clear_ibuf [dreg:s8], $0x7FFFF;
	_ =	strace $0x90000046  }
0xb5: {  	s29 =	simm.s32 $0x9;
	_ =	strace $0x80000048  }
0xb6: {  	_ =	swait.ge [sflag:s29], $0x1  }
0xb7: {  	[sflag:s29] =	ssyncadd.s32 $0xFFFFFFFF  }
0xb8: {  	_ =	strace $0x90000048  }
0xb9: {  	_ =	sfence  }
0xba: {  	s30 =	sld [smem:$0x0];
	_ =	sdelay $0x2  }
0xbb: {  	s31 =	sshll.u32 s1, $0xD;
	s1 =	sshrl.u32 s1, $0x2  }
0xbc: {  	s3 =	sand.u32 $0x4000, s31;
	s1 =	sadd.s32 s1, s30  }
0xbd: {  	s0 =	sor.u32 s3, s0;
	s1 =	sshll.u32 s1, $0x11  }
0xbe: {  	s0 =	sor.u32 s1, s0  }
0xbf: {  	s0 =	sadd.s32 $0x8F2B, s0  }
0xc0: {  	[sflag:s0] =	ssyncadd.remote.s32 $0x1  }
0xc1: {  	_ =	sfence.sel $0xFFFF  }
0xc2: {  	[dreg:$0x0] =	wrdreg $0xFFFFFFFF;
	(pc) =	sbr.abs _section_cstart, $3  }
0xc3: {  	[dreg:$0x1] =	wrdreg $0xFFFFFFFF  }
0xc4: {  	_ =	task.clear_ibuf [dreg:s8], $0x2FFFF;
	_ =	strace $0x9FFFFFFF  }
0xc5: {  	(tm) =	ssettm $0x7FFFFFFF  }
tec
execute0_lowered:
.L_overlay_start_1:
0x0: {  	(tag) =	ssettag $0x1  }
0x1: {  	s3 =	rddreg [dreg:$0x0]  }
0x2: {  	s4 =	rddreg [dreg:$0x1]  }
0x3: {  	s6 =	rddreg [dreg:$0x2]  }
0x4: {  	s1 =	rddreg [dreg:$0x3]  }
0x5: {  	s2 =	srdreg.scid;
	s0 =	rddreg [dreg:$0x4];
	s5 =	simm.s32 $0x0  }
0x6: {  	s11 =	stileid.u32;
	p2 =	por $0x0, $0x0;
	s7 =	sand.u32 $0x1, s2  }
0x7: {  	[smem:$0x7FF] =	sst s5;
	s2 =	sadd.s32 $0x1200, s3;
	s16 =	sadd.s32 $0x4400, s3  }
0x8: {  	p0 =	sne.s32 s11, $0x0;
	s8 =	sshll.u32 s7, $0x4;
	s7 =	ssub.s32 $0x2, s7  }
0x9: {  	_ =	strace $0x80000047;
	s12 =	sor.u32 s11, s8;
	s30 =	sshrl.u32 s7, $0x1  }
0xa: {  	s3 =	sadd.s32 s8, s3;
	s9 =	smul.u32 $0x3200, s12;
	s8 =	ssub.s32 s7, s30  }
0xb: {  	s11 =	simm.s32 $0x3200;
	s10 =	smul.u32 $0x640, s12;
	s8 =	smax.u32 s8, $0x1  }
0xc: {  	s3 =	sadd.s32 $0x5E00, s3;
	p1 =	sgt.u32 s12, $0x1C;
	s26 =	sadd.s32 $0xFFFFFFFF, s8  }
0xd: {  	s12 =	simm.s32 $0x6400;
	s9 =	sshrl.u32 s9, $0x3;
	p3 =	sne.s32 s26, $0x0  }
.Ltmp0:
0xe: {  	s18 =	sadd.s32 s4, s10;
	s17 =	sadd.s32 s6, s10;
	(pc) =	sbr.rel @!p3 .LBB2_3-.Ltmp0, $4  }
0xf: {  	s8 =	simm.s32 $0x2;
	s31 =	sadd.s32 $0xC800, s9;
	s13 =	sadd.s32 $0x19000, s9  }
0x10: {  	s19 =	sadd.s32 $0x25800, s9;
	s15 =	sadd.s32 s4, s31;
	s14 =	sadd.s32 s6, s31  }
0x11: {  	s10 =	sadd.s32 s4, s13;
	s9 =	sadd.s32 s6, s13;
	s7 =	sadd.s32 s4, s19  }
0x12: {  	s6 =	sadd.s32 s6, s19;
	s4 =	sshrl.u32 @!p0 s1, $0x3;
	s13 =	simm.s32 $0x1  }
0x13: {  	s20 =	simm.s32 @!p0 $0x1C02;
	s19 =	simm.s32 @!p0 $0x2  }
0x14: {  	[spmem:s4], [sflag:s20] =	dma.local @!p0 [hbm:s16], $0x1870  }
0x15: {  	_ =	swait.ge @!p0 [sflag:s19], $0x1870  }
0x16: {  	[sflag:s19] =	ssyncset.done @!p0 $0x0  }
0x17: {  	[sflag:s19] =	ssyncadd.s32 @!p0 $0xFFFFE790  }
0x18: {  	[bflag:$0x0] =	sbarrier.arrive $0xFFFF  }
0x19: {  	[tilespmem:s5], [sflag:$0x2] =	stream.linear.gather [hbm4b:s18+s5], $0x3200, $0x38;
	[tilespmem:$0xA238] =	vst v63  }
0x1a: {  	_ =	swait.ge [sflag:s8], $0x3200  }
0x1b: {  	[sflag:s8] =	ssyncset.done $0x0  }
0x1c: {  	[sflag:s8] =	ssyncadd.s32 $0xFFFFCE00  }
0x1d: {  	[tilespmem:s11], [sflag:$0x2] =	stream.linear.gather [hbm4b:s17+s5], $0x3200, $0x38;
	[tilespmem:$0xA238] =	vst v63  }
0x1e: {  	_ =	swait.ge [sflag:s8], $0x3200  }
0x1f: {  	[sflag:s8] =	ssyncset.done $0x0  }
0x20: {  	[sflag:s8] =	ssyncadd.s32 $0xFFFFCE00  }
0x21: {  	[tilespmem:s12], [sflag:$0x1] =	stream.indirect.gather [hbm4b:s2+s11], $0x1, s5, s11, $0xb8;
	[tilespmem:$0xA238] =	vst v63  }
0x22: {  	_ =	swait.ge [sflag:s13], $0x3200  }
0x23: {  	[sflag:s13] =	ssyncset.done $0x0  }
0x24: {  	[sflag:s13] =	ssyncadd.s32 $0xFFFFCE00  }
0x25: {  	[spmem:s1] =	stream.indirect.scatter.add.f32 [tilespmem:s12], [sflag:$0x2], $0x1, s11, s11, $0xb8;
	[tilespmem:$0xA238] =	vst v63  }
0x26: {  	_ =	swait.ge [sflag:s8], $0x3200  }
0x27: {  	[sflag:s8] =	ssyncset.done $0x0  }
0x28: {  	[sflag:s8] =	ssyncadd.s32 $0xFFFFCE00  }
0x29: {  	[tilespmem:s5], [sflag:$0x2] =	stream.linear.gather [hbm4b:s15+s5], $0x3200, $0x38;
	[tilespmem:$0xA238] =	vst v63  }
0x2a: {  	_ =	swait.ge [sflag:s8], $0x3200  }
0x2b: {  	[sflag:s8] =	ssyncset.done $0x0  }
0x2c: {  	[sflag:s8] =	ssyncadd.s32 $0xFFFFCE00  }
0x2d: {  	[tilespmem:s11], [sflag:$0x2] =	stream.linear.gather [hbm4b:s14+s5], $0x3200, $0x38;
	[tilespmem:$0xA238] =	vst v63  }
0x2e: {  	_ =	swait.ge [sflag:s8], $0x3200  }
0x2f: {  	[sflag:s8] =	ssyncset.done $0x0  }
0x30: {  	[sflag:s8] =	ssyncadd.s32 $0xFFFFCE00  }
0x31: {  	[tilespmem:s12], [sflag:$0x1] =	stream.indirect.gather [hbm4b:s2+s11], $0x1, s5, s11, $0xb8;
	[tilespmem:$0xA238] =	vst v63  }
0x32: {  	_ =	swait.ge [sflag:s13], $0x3200  }
0x33: {  	[sflag:s13] =	ssyncset.done $0x0  }
0x34: {  	[sflag:s13] =	ssyncadd.s32 $0xFFFFCE00  }
0x35: {  	[spmem:s1] =	stream.indirect.scatter.add.f32 [tilespmem:s12], [sflag:$0x2], $0x1, s11, s11, $0xb8;
	[tilespmem:$0xA238] =	vst v63  }
0x36: {  	_ =	swait.ge [sflag:s8], $0x3200  }
0x37: {  	[sflag:s8] =	ssyncset.done $0x0  }
0x38: {  	[sflag:s8] =	ssyncadd.s32 $0xFFFFCE00  }
0x39: {  	[tilespmem:s5], [sflag:$0x2] =	stream.linear.gather [hbm4b:s10+s5], $0x3200, $0x38;
	[tilespmem:$0xA238] =	vst v63  }
0x3a: {  	_ =	swait.ge [sflag:s8], $0x3200  }
0x3b: {  	[sflag:s8] =	ssyncset.done $0x0  }
0x3c: {  	[sflag:s8] =	ssyncadd.s32 $0xFFFFCE00  }
0x3d: {  	[tilespmem:s11], [sflag:$0x2] =	stream.linear.gather [hbm4b:s9+s5], $0x3200, $0x38;
	[tilespmem:$0xA238] =	vst v63  }
0x3e: {  	_ =	swait.ge [sflag:s8], $0x3200  }
0x3f: {  	[sflag:s8] =	ssyncset.done $0x0  }
0x40: {  	[sflag:s8] =	ssyncadd.s32 $0xFFFFCE00  }
0x41: {  	[tilespmem:s12], [sflag:$0x1] =	stream.indirect.gather [hbm4b:s2+s11], $0x1, s5, s11, $0xb8;
	[tilespmem:$0xA238] =	vst v63  }
0x42: {  	_ =	swait.ge [sflag:s13], $0x3200  }
0x43: {  	[sflag:s13] =	ssyncset.done $0x0  }
0x44: {  	[sflag:s13] =	ssyncadd.s32 $0xFFFFCE00  }
0x45: {  	[spmem:s1] =	stream.indirect.scatter.add.f32 [tilespmem:s12], [sflag:$0x2], $0x1, s11, s11, $0xb8;
	[tilespmem:$0xA238] =	vst v63  }
0x46: {  	_ =	swait.ge [sflag:s8], $0x3200  }
0x47: {  	[sflag:s8] =	ssyncset.done $0x0  }
0x48: {  	s21 =	simm.s32 @!p1 $0x0;
	s22 =	simm.s32 @!p1 $0x2;
	[sflag:s8] =	ssyncadd.s32 $0xFFFFCE00  }
0x49: {  	[tilespmem:s21], [sflag:$0x2] =	stream.linear.gather @!p1 [hbm4b:s7+s21], $0x3200, $0x38;
	[tilespmem:$0xA238] =	vst v63  }
0x4a: {  	_ =	swait.ge @!p1 [sflag:s22], $0x3200  }
0x4b: {  	[sflag:s22] =	ssyncset.done @!p1 $0x0  }
0x4c: {  	s23 =	simm.s32 @!p1 $0x3200;
	[sflag:s22] =	ssyncadd.s32 @!p1 $0xFFFFCE00  }
0x4d: {  	[tilespmem:s23], [sflag:$0x2] =	stream.linear.gather @!p1 [hbm4b:s6+s21], $0x3200, $0x38;
	[tilespmem:$0xA238] =	vst v63  }
0x4e: {  	_ =	swait.ge @!p1 [sflag:s22], $0x3200  }
0x4f: {  	[sflag:s22] =	ssyncset.done @!p1 $0x0  }
0x50: {  	s24 =	simm.s32 @!p1 $0x6400;
	s25 =	simm.s32 @!p1 $0x1;
	[sflag:s22] =	ssyncadd.s32 @!p1 $0xFFFFCE00  }
0x51: {  	[tilespmem:s24], [sflag:$0x1] =	stream.indirect.gather @!p1 [hbm4b:s2+s23], $0x1, s21, s23, $0xb8;
	[tilespmem:$0xA238] =	vst v63  }
0x52: {  	_ =	swait.ge @!p1 [sflag:s25], $0x3200  }
0x53: {  	[sflag:s25] =	ssyncset.done @!p1 $0x0  }
0x54: {  	[sflag:s25] =	ssyncadd.s32 @!p1 $0xFFFFCE00  }
0x55: {  	[spmem:s1] =	stream.indirect.scatter.add.f32 @!p1 [tilespmem:s24], [sflag:$0x2], $0x1, s23, s23, $0xb8;
	[tilespmem:$0xA238] =	vst v63  }
0x56: {  	s26 =	sadd.s32 $0xFFFFFFFF, s26;
	_ =	swait.ge @!p1 [sflag:s22], $0x3200  }
0x57: {  	p3 =	sne.s32 s26, $0x0;
	[sflag:s22] =	ssyncset.done @!p1 $0x0  }
.Ltmp1:
0x58: {  	s28 =	simm.s32 @!p0 $0x10;
	[sflag:s22] =	ssyncadd.s32 @!p1 $0xFFFFCE00;
	(pc) =	sbr.rel @!p3 .LBB2_3-.Ltmp1, $4  }
0x59: {  	s29 =	simm.s32 @!p0 $0x1;
	s30 =	simm.s32 @!p0 $0x20;
	[bflag:$0x0] =	sbarrier.arrive $0xFFFF  }
0x5a: {  	[hbm:s3@s30], [sflag:s20] =	dma.strided @!p0 [spmem:s4@s28], $0x1870, s29, $0x10   }
0x5b: {  	_ =	swait.ge @!p0 [sflag:s19], $0x1870  }
0x5c: {  	p2 =	por $0x1, $0x1;
	[sflag:s19] =	ssyncset.done @!p0 $0x0  }
.LBB2_2:
0x5d: {  	[sflag:s19] =	ssyncadd.s32 @!p0 $0xFFFFE790  }
0x5e: {  	[spmem:s4], [sflag:s20] =	dma.local @!p0 [hbm:s16], $0x1870  }
0x5f: {  	s26 =	sadd.s32 $0xFFFFFFFF, s26;
	_ =	swait.ge @!p0 [sflag:s19], $0x1870  }
0x60: {  	p3 =	sne.s32 s26, $0x0;
	[sflag:s19] =	ssyncset.done @!p0 $0x0  }
0x61: {  	[sflag:s19] =	ssyncadd.s32 @!p0 $0xFFFFE790  }
0x62: {  	[bflag:$0x0] =	sbarrier.arrive $0xFFFF  }
0x63: {  	[tilespmem:s5], [sflag:$0x2] =	stream.linear.gather [hbm4b:s18+s5], $0x3200, $0x38;
	[tilespmem:$0xA238] =	vst v63  }
0x64: {  	_ =	swait.ge [sflag:s8], $0x3200  }
0x65: {  	[sflag:s8] =	ssyncset.done $0x0  }
0x66: {  	[sflag:s8] =	ssyncadd.s32 $0xFFFFCE00  }
0x67: {  	[tilespmem:s11], [sflag:$0x2] =	stream.linear.gather [hbm4b:s17+s5], $0x3200, $0x38;
	[tilespmem:$0xA238] =	vst v63  }
0x68: {  	_ =	swait.ge [sflag:s8], $0x3200  }
0x69: {  	[sflag:s8] =	ssyncset.done $0x0  }
0x6a: {  	[sflag:s8] =	ssyncadd.s32 $0xFFFFCE00  }
0x6b: {  	[tilespmem:s12], [sflag:$0x1] =	stream.indirect.gather [hbm4b:s2+s11], $0x1, s5, s11, $0xb8;
	[tilespmem:$0xA238] =	vst v63  }
0x6c: {  	_ =	swait.ge [sflag:s13], $0x3200  }
0x6d: {  	[sflag:s13] =	ssyncset.done $0x0  }
0x6e: {  	[sflag:s13] =	ssyncadd.s32 $0xFFFFCE00  }
0x6f: {  	[spmem:s1] =	stream.indirect.scatter.add.f32 [tilespmem:s12], [sflag:$0x2], $0x1, s11, s11, $0xb8;
	[tilespmem:$0xA238] =	vst v63  }
0x70: {  	_ =	swait.ge [sflag:s8], $0x3200  }
0x71: {  	[sflag:s8] =	ssyncset.done $0x0  }
0x72: {  	[sflag:s8] =	ssyncadd.s32 $0xFFFFCE00  }
0x73: {  	[tilespmem:s5], [sflag:$0x2] =	stream.linear.gather [hbm4b:s15+s5], $0x3200, $0x38;
	[tilespmem:$0xA238] =	vst v63  }
0x74: {  	_ =	swait.ge [sflag:s8], $0x3200  }
0x75: {  	[sflag:s8] =	ssyncset.done $0x0  }
0x76: {  	[sflag:s8] =	ssyncadd.s32 $0xFFFFCE00  }
0x77: {  	[tilespmem:s11], [sflag:$0x2] =	stream.linear.gather [hbm4b:s14+s5], $0x3200, $0x38;
	[tilespmem:$0xA238] =	vst v63  }
0x78: {  	_ =	swait.ge [sflag:s8], $0x3200  }
0x79: {  	[sflag:s8] =	ssyncset.done $0x0  }
0x7a: {  	[sflag:s8] =	ssyncadd.s32 $0xFFFFCE00  }
0x7b: {  	[tilespmem:s12], [sflag:$0x1] =	stream.indirect.gather [hbm4b:s2+s11], $0x1, s5, s11, $0xb8;
	[tilespmem:$0xA238] =	vst v63  }
0x7c: {  	_ =	swait.ge [sflag:s13], $0x3200  }
0x7d: {  	[sflag:s13] =	ssyncset.done $0x0  }
0x7e: {  	[sflag:s13] =	ssyncadd.s32 $0xFFFFCE00  }
0x7f: {  	[spmem:s1] =	stream.indirect.scatter.add.f32 [tilespmem:s12], [sflag:$0x2], $0x1, s11, s11, $0xb8;
	[tilespmem:$0xA238] =	vst v63  }
0x80: {  	_ =	swait.ge [sflag:s8], $0x3200  }
0x81: {  	[sflag:s8] =	ssyncset.done $0x0  }
0x82: {  	[sflag:s8] =	ssyncadd.s32 $0xFFFFCE00  }
0x83: {  	[tilespmem:s5], [sflag:$0x2] =	stream.linear.gather [hbm4b:s10+s5], $0x3200, $0x38;
	[tilespmem:$0xA238] =	vst v63  }
0x84: {  	_ =	swait.ge [sflag:s8], $0x3200  }
0x85: {  	[sflag:s8] =	ssyncset.done $0x0  }
0x86: {  	[sflag:s8] =	ssyncadd.s32 $0xFFFFCE00  }
0x87: {  	[tilespmem:s11], [sflag:$0x2] =	stream.linear.gather [hbm4b:s9+s5], $0x3200, $0x38;
	[tilespmem:$0xA238] =	vst v63  }
0x88: {  	_ =	swait.ge [sflag:s8], $0x3200  }
0x89: {  	[sflag:s8] =	ssyncset.done $0x0  }
0x8a: {  	[sflag:s8] =	ssyncadd.s32 $0xFFFFCE00  }
0x8b: {  	[tilespmem:s12], [sflag:$0x1] =	stream.indirect.gather [hbm4b:s2+s11], $0x1, s5, s11, $0xb8;
	[tilespmem:$0xA238] =	vst v63  }
0x8c: {  	_ =	swait.ge [sflag:s13], $0x3200  }
0x8d: {  	[sflag:s13] =	ssyncset.done $0x0  }
0x8e: {  	[sflag:s13] =	ssyncadd.s32 $0xFFFFCE00  }
0x8f: {  	[spmem:s1] =	stream.indirect.scatter.add.f32 [tilespmem:s12], [sflag:$0x2], $0x1, s11, s11, $0xb8;
	[tilespmem:$0xA238] =	vst v63  }
0x90: {  	_ =	swait.ge [sflag:s8], $0x3200  }
0x91: {  	[sflag:s8] =	ssyncset.done $0x0  }
0x92: {  	[sflag:s8] =	ssyncadd.s32 $0xFFFFCE00  }
0x93: {  	[tilespmem:s21], [sflag:$0x2] =	stream.linear.gather @!p1 [hbm4b:s7+s21], $0x3200, $0x38;
	[tilespmem:$0xA238] =	vst v63  }
0x94: {  	_ =	swait.ge @!p1 [sflag:s22], $0x3200  }
0x95: {  	[sflag:s22] =	ssyncset.done @!p1 $0x0  }
0x96: {  	[sflag:s22] =	ssyncadd.s32 @!p1 $0xFFFFCE00  }
0x97: {  	[tilespmem:s23], [sflag:$0x2] =	stream.linear.gather @!p1 [hbm4b:s6+s21], $0x3200, $0x38;
	[tilespmem:$0xA238] =	vst v63  }
0x98: {  	_ =	swait.ge @!p1 [sflag:s22], $0x3200  }
0x99: {  	[sflag:s22] =	ssyncset.done @!p1 $0x0  }
0x9a: {  	[sflag:s22] =	ssyncadd.s32 @!p1 $0xFFFFCE00  }
0x9b: {  	[tilespmem:s24], [sflag:$0x1] =	stream.indirect.gather @!p1 [hbm4b:s2+s23], $0x1, s21, s23, $0xb8;
	[tilespmem:$0xA238] =	vst v63  }
0x9c: {  	_ =	swait.ge @!p1 [sflag:s25], $0x3200  }
0x9d: {  	[sflag:s25] =	ssyncset.done @!p1 $0x0  }
0x9e: {  	[sflag:s25] =	ssyncadd.s32 @!p1 $0xFFFFCE00  }
0x9f: {  	[spmem:s1] =	stream.indirect.scatter.add.f32 @!p1 [tilespmem:s24], [sflag:$0x2], $0x1, s23, s23, $0xb8;
	[tilespmem:$0xA238] =	vst v63  }
0xa0: {  	_ =	swait.ge @!p1 [sflag:s22], $0x3200  }
0xa1: {  	[sflag:s22] =	ssyncset.done @!p1 $0x0  }
.Ltmp2:
0xa2: {  	[sflag:s22] =	ssyncadd.s32 @!p1 $0xFFFFCE00;
	(pc) =	sbr.rel @p3 .LBB2_2-.Ltmp2, $4  }
0xa3: {  	[bflag:$0x0] =	sbarrier.arrive $0xFFFF  }
0xa4: {  	[hbm:s3@s30], [sflag:s20] =	dma.strided @!p0 [spmem:s4@s28], $0x1870, s29, $0x10   }
0xa5: {  	_ =	swait.ge @!p0 [sflag:s19], $0x1870  }
0xa6: {  	[sflag:s19] =	ssyncset.done @!p0 $0x0  }
.LBB2_3:
0xa7: {  	p2 =	por p0, !p2  }
0xa8: {  	s21 =	simm.s32 @!p0 $0x1C02;
	s20 =	simm.s32 @!p0 $0x2;
	[sflag:s19] =	ssyncadd.s32 @!p2 $0xFFFFE790  }
0xa9: {  	[spmem:s4], [sflag:s21] =	dma.local @!p0 [hbm:s16], $0x1870  }
0xaa: {  	_ =	swait.ge @!p0 [sflag:s20], $0x1870  }
0xab: {  	[sflag:s20] =	ssyncset.done @!p0 $0x0  }
0xac: {  	[sflag:s20] =	ssyncadd.s32 @!p0 $0xFFFFE790  }
0xad: {  	[bflag:$0x0] =	sbarrier.arrive $0xFFFF  }
0xae: {  	[tilespmem:s5], [sflag:$0x2] =	stream.linear.gather [hbm4b:s18+s5], $0x3200, $0x38;
	[tilespmem:$0xA238] =	vst v63  }
0xaf: {  	_ =	swait.ge [sflag:s8], $0x3200  }
0xb0: {  	[sflag:s8] =	ssyncset.done $0x0  }
0xb1: {  	[sflag:s8] =	ssyncadd.s32 $0xFFFFCE00  }
0xb2: {  	[tilespmem:s11], [sflag:$0x2] =	stream.linear.gather [hbm4b:s17+s5], $0x3200, $0x38;
	[tilespmem:$0xA238] =	vst v63  }
0xb3: {  	_ =	swait.ge [sflag:s8], $0x3200  }
0xb4: {  	[sflag:s8] =	ssyncset.done $0x0  }
0xb5: {  	[sflag:s8] =	ssyncadd.s32 $0xFFFFCE00  }
0xb6: {  	[tilespmem:s12], [sflag:$0x1] =	stream.indirect.gather [hbm4b:s2+s11], $0x1, s5, s11, $0xb8;
	[tilespmem:$0xA238] =	vst v63  }
0xb7: {  	_ =	swait.ge [sflag:s13], $0x3200  }
0xb8: {  	[sflag:s13] =	ssyncset.done $0x0  }
0xb9: {  	[sflag:s13] =	ssyncadd.s32 $0xFFFFCE00  }
0xba: {  	[spmem:s1] =	stream.indirect.scatter.add.f32 [tilespmem:s12], [sflag:$0x2], $0x1, s11, s11, $0xb8;
	[tilespmem:$0xA238] =	vst v63  }
0xbb: {  	_ =	swait.ge [sflag:s8], $0x3200  }
0xbc: {  	[sflag:s8] =	ssyncset.done $0x0  }
0xbd: {  	[sflag:s8] =	ssyncadd.s32 $0xFFFFCE00  }
0xbe: {  	[tilespmem:s5], [sflag:$0x2] =	stream.linear.gather [hbm4b:s15+s5], $0x3200, $0x38;
	[tilespmem:$0xA238] =	vst v63  }
0xbf: {  	_ =	swait.ge [sflag:s8], $0x3200  }
0xc0: {  	[sflag:s8] =	ssyncset.done $0x0  }
0xc1: {  	[sflag:s8] =	ssyncadd.s32 $0xFFFFCE00  }
0xc2: {  	[tilespmem:s11], [sflag:$0x2] =	stream.linear.gather [hbm4b:s14+s5], $0x3200, $0x38;
	[tilespmem:$0xA238] =	vst v63  }
0xc3: {  	_ =	swait.ge [sflag:s8], $0x3200  }
0xc4: {  	[sflag:s8] =	ssyncset.done $0x0  }
0xc5: {  	[sflag:s8] =	ssyncadd.s32 $0xFFFFCE00  }
0xc6: {  	[tilespmem:s12], [sflag:$0x1] =	stream.indirect.gather [hbm4b:s2+s11], $0x1, s5, s11, $0xb8;
	[tilespmem:$0xA238] =	vst v63  }
0xc7: {  	_ =	swait.ge [sflag:s13], $0x3200  }
0xc8: {  	[sflag:s13] =	ssyncset.done $0x0  }
0xc9: {  	[sflag:s13] =	ssyncadd.s32 $0xFFFFCE00  }
0xca: {  	[spmem:s1] =	stream.indirect.scatter.add.f32 [tilespmem:s12], [sflag:$0x2], $0x1, s11, s11, $0xb8;
	[tilespmem:$0xA238] =	vst v63  }
0xcb: {  	_ =	swait.ge [sflag:s8], $0x3200  }
0xcc: {  	[sflag:s8] =	ssyncset.done $0x0  }
0xcd: {  	[sflag:s8] =	ssyncadd.s32 $0xFFFFCE00  }
0xce: {  	[tilespmem:s5], [sflag:$0x2] =	stream.linear.gather [hbm4b:s10+s5], $0x3200, $0x38;
	[tilespmem:$0xA238] =	vst v63  }
0xcf: {  	_ =	swait.ge [sflag:s8], $0x3200  }
0xd0: {  	[sflag:s8] =	ssyncset.done $0x0  }
0xd1: {  	[sflag:s8] =	ssyncadd.s32 $0xFFFFCE00  }
0xd2: {  	[tilespmem:s11], [sflag:$0x2] =	stream.linear.gather [hbm4b:s9+s5], $0x3200, $0x38;
	[tilespmem:$0xA238] =	vst v63  }
0xd3: {  	_ =	swait.ge [sflag:s8], $0x3200  }
0xd4: {  	[sflag:s8] =	ssyncset.done $0x0  }
0xd5: {  	[sflag:s8] =	ssyncadd.s32 $0xFFFFCE00  }
0xd6: {  	[tilespmem:s12], [sflag:$0x1] =	stream.indirect.gather [hbm4b:s2+s11], $0x1, s5, s11, $0xb8;
	[tilespmem:$0xA238] =	vst v63  }
0xd7: {  	_ =	swait.ge [sflag:s13], $0x3200  }
0xd8: {  	[sflag:s13] =	ssyncset.done $0x0  }
0xd9: {  	[sflag:s13] =	ssyncadd.s32 $0xFFFFCE00  }
0xda: {  	[spmem:s1] =	stream.indirect.scatter.add.f32 [tilespmem:s12], [sflag:$0x2], $0x1, s11, s11, $0xb8;
	[tilespmem:$0xA238] =	vst v63  }
0xdb: {  	_ =	swait.ge [sflag:s8], $0x3200  }
0xdc: {  	[sflag:s8] =	ssyncset.done $0x0  }
0xdd: {  	s5 =	simm.s32 @!p1 $0x0;
	[sflag:s8] =	ssyncadd.s32 $0xFFFFCE00;
	s8 =	simm.s32 @!p1 $0x2  }
0xde: {  	[tilespmem:s5], [sflag:$0x2] =	stream.linear.gather @!p1 [hbm4b:s7+s5], $0x3200, $0x38;
	[tilespmem:$0xA238] =	vst v63  }
0xdf: {  	_ =	swait.ge @!p1 [sflag:s8], $0x3200  }
0xe0: {  	[sflag:s8] =	ssyncset.done @!p1 $0x0  }
0xe1: {  	s7 =	simm.s32 @!p1 $0x3200;
	[sflag:s8] =	ssyncadd.s32 @!p1 $0xFFFFCE00  }
0xe2: {  	[tilespmem:s7], [sflag:$0x2] =	stream.linear.gather @!p1 [hbm4b:s6+s5], $0x3200, $0x38;
	[tilespmem:$0xA238] =	vst v63  }
0xe3: {  	_ =	swait.ge @!p1 [sflag:s8], $0x3200  }
0xe4: {  	[sflag:s8] =	ssyncset.done @!p1 $0x0  }
0xe5: {  	s9 =	simm.s32 @!p1 $0x1;
	s6 =	simm.s32 @!p1 $0x6400;
	[sflag:s8] =	ssyncadd.s32 @!p1 $0xFFFFCE00  }
0xe6: {  	[tilespmem:s6], [sflag:$0x1] =	stream.indirect.gather @!p1 [hbm4b:s2+s7], $0x1, s5, s7, $0xb8;
	[tilespmem:$0xA238] =	vst v63  }
0xe7: {  	_ =	swait.ge @!p1 [sflag:s9], $0x3200  }
0xe8: {  	[sflag:s9] =	ssyncset.done @!p1 $0x0  }
0xe9: {  	[sflag:s9] =	ssyncadd.s32 @!p1 $0xFFFFCE00  }
0xea: {  	[spmem:s1] =	stream.indirect.scatter.add.f32 @!p1 [tilespmem:s6], [sflag:$0x2], $0x1, s7, s7, $0xb8;
	[tilespmem:$0xA238] =	vst v63  }
0xeb: {  	_ =	swait.ge @!p1 [sflag:s8], $0x3200  }
0xec: {  	[sflag:s8] =	ssyncset.done @!p1 $0x0  }
0xed: {  	s2 =	simm.s32 @!p0 $0x1;
	[sflag:s8] =	ssyncadd.s32 @!p1 $0xFFFFCE00  }
0xee: {  	s5 =	simm.s32 @!p0 $0x20;
	s1 =	simm.s32 @!p0 $0x10;
	[bflag:$0x0] =	sbarrier.arrive $0xFFFF  }
0xef: {  	[hbm:s3@s5], [sflag:s21] =	dma.strided @!p0 [spmem:s4@s1], $0x1870, s2, $0x10   }
0xf0: {  	_ =	swait.ge @!p0 [sflag:s20], $0x1870  }
0xf1: {  	[sflag:s20] =	ssyncset.done @!p0 $0x0  }
0xf2: {  	[sflag:s20] =	ssyncadd.s32 @!p0 $0xFFFFE790  }
0xf3: {  	_ =	sfence.sel $0x180000  }
0xf4: {  	[bflag:$0x0] =	sbarrier.arrive $0xFFFF  }
0xf5: {  	_ =	strace $0x90000047  }
0xf6: {  	s0 =	sadd.s32 @!p0 $0x100000, s0;
	[bflag:$0x2] =	sbarrier.arrive $0xFFFF  }
0xf7: {  	[sflag:s0] =	ssyncadd.tile.s32 @!p0 $0x1;
	_ =	shalt  }
.Lfunc_end2:
_tile_overlayer_lowered:
.L_overlay_start_2:
0xf8: {  	(tag) =	ssettag $0x2  }
0xf9: {  	s0 =	rddreg [dreg:$0x0];
	s2 =	stileid.u32  }
0xfa: {  	s1 =	rddreg [dreg:$0x1];
	p0 =	sne.s32 s2, $0x0  }
0xfb: {  	s3 =	rddreg [dreg:$0x2];
	[bflag:$0x3] =	sbarrier.arrive $0xFFFF;
	s2 =	simm.s32 @!p0 $0x1C02  }
0xfc: {  	[timem:s3], [sflag:s2] =	dma.local @!p0 [hbm:s0], s1  }
0xfd: {  	s0 =	simm.s32 @!p0 $0x2  }
0xfe: {  	_ =	swait.ge @!p0 [sflag:s0], s1  }
0xff: {  	s1 =	ssub.s32 @!p0 $0x0, s1;
	[sflag:s0] =	ssyncset.done @!p0 $0x0  }
0x100: {  	[sflag:s0] =	ssyncadd.s32 @!p0 s1  }
0x101: {  	[bflag:$0x3] =	sbarrier.arrive $0xFFFF  }
0x102: {  	_ =	shalt  }

// kernel: kernel.9.cloned.1.call-start
scs
__scs_entry_jumppad:
0x0: {  	(pc) =	sbr.rel $0x88, $3  }
0x1: {  	(tag) =	ssettag $0x0;
	lr =	simm.s32 $0x1  }
0x2: {  	[smem:$0x3F9D] =	sst lr;
	_ =	strace $0xD0000000  }
0x3: {  	_ = 	snop  }
0x4: {  	_ = 	snop  }
0x5: {  	_ = 	snop  }
0x6: {  	_ = 	snop  }
0x7: {  	_ = 	snop  }
__scs_overlays_trampoline_lowered:
0x8: {  	[smem:$0x3FAC] =	sst s0  }
0x9: {  	[smem:$0x3FAD] =	sst s1  }
0xa: {  	[smem:$0x3FAE] =	sst s2  }
0xb: {  	[smem:$0x3FAF] =	sst s3  }
0xc: {  	[smem:$0x3FB0] =	sst s4  }
0xd: {  	[smem:$0x3FB1] =	sst s5  }
0xe: {  	[smem:$0x3FB2] =	sst s6  }
0xf: {  	[smem:$0x3FB3] =	sst s7  }
0x10: {  	[smem:$0x3FB4] =	sst s8  }
0x11: {  	[smem:$0x3FB5] =	sst s9;
	s0 =	simm.s32 @!p0 $0x0  }
0x12: {  	s1 =	sld [smem:$0x3F9B];
	s0 =	simm.s32 @p0 $0x1  }
0x13: {  	[smem:$0x3FB6] =	sst s0;
	s0 =	simm.s32 @!p1 $0x0  }
0x14: {  	s2 =	sld [smem:$0x3F9A];
	s0 =	simm.s32 @p1 $0x1  }
0x15: {  	[smem:$0x3FB7] =	sst s0;
	s0 =	simm.s32 @!p2 $0x0  }
0x16: {  	s3 =	sld [smem:$0x3FDB];
	s0 =	simm.s32 @p2 $0x1  }
0x17: {  	s4 =	simm.s32 $0x1BF5;
	[smem:$0x3FB9] =	sst s0  }
0x18: {  	s0 =	sld [smem:$0x3F9C];
	_ =	swait.ge [sflag:s4], $0x0  }
0x19: {  	s7 =	sld [smem:$0x3F9D]  }
0x1a: {  	s8 =	sadd.s32 $0xFFFFE003, lr  }
0x1b: {  	s9 =	sadd.s32 $0xFFFFFEF7, lr;
	s5 =	simm.s32 $0xFFFFFFFF;
	p2 =	slt.u32 s8, $0xFFFFF086  }
0x1c: {  	p1 =	slt.u32 s9, $0xF7A;
	s5 =	simm.s32 @!p2 $0x0  }
0x1d: {  	s5 =	simm.s32 @p1 $0x1;
	p0 =	seq.s32 s7, s2  }
0x1e: {  	s7 =	smul.u32 @!p0 $0xF7A, s2;
	p2 =	seq.s32 @!p0 s5, $0x0  }
0x1f: {  	s9 =	smul.u32 $0xF7A, s1;
	s8 =	simm.s32 @!p0 $0x1BF5;
	p2 =	por !p2, p0  }
0x20: {  	[sflag:s8] =	ssyncset.s32 @!p0 $0xFFFFF086;
	s6 =	sadd.s32 @!p0 s3, s7;
	s7 =	simm.s32 @!p0 $0x108  }
0x21: {  	s3 =	sadd.s32 s3, s9;
	s6 =	sadd.s32 @!p0 $0x88, s6;
	s7 =	simm.s32 @p2 $0x1082  }
0x22: {  	[simem:s7], [sflag:s8] =	dma.local @!p0 [hbm:s6], $0xF7A  }
0x23: {  	s9 =	sor.u32 $0xD0000000, s2;
	s6 =	simm.s32 $0x108;
	_ =	swait.ge @!p0 [sflag:s8], $0x0  }
0x24: {  	s3 =	sadd.s32 $0x88, s3;
	s6 =	simm.s32 @!p1 $0x1082;
	[sflag:s4] =	ssyncset.s32 $0xFFFFF086  }
0x25: {  	[simem:s6], [sflag:s4] =	dma.local [hbm:s3], $0xF7A  }
0x26: {  	[smem:$0x3F9D] =	sst s1;
	(tag) =	ssettag s2;
	_ =	strace s9  }
0x27: {  	s1 =	sld [smem:$0x3FAD]  }
0x28: {  	s2 =	sld [smem:$0x3FAE]  }
0x29: {  	s4 =	sld [smem:$0x3FB0]  }
0x2a: {  	p0 =	seq.s32 s5, $0x0;
	s5 =	sld [smem:$0x3FB1]  }
0x2b: {  	s6 =	sld [smem:$0x3FB2]  }
0x2c: {  	s7 =	sld [smem:$0x3FB3]  }
0x2d: {  	s3 =	simm.s32 $0x108;
	s8 =	sld [smem:$0x3FB4]  }
0x2e: {  	s3 =	simm.s32 @!p0 $0x1082;
	s9 =	sld [smem:$0x3FB5]  }
0x2f: {  	lr =	sadd.s32 s0, s3;
	s0 =	sld [smem:$0x3FAC]  }
0x30: {  	s3 =	sld [smem:$0x3FAF]  }
0x31: {  	[smem:$0x3FB8] =	sst s10  }
0x32: {  	s10 =	sld [smem:$0x3FB6];
	_ =	sdelay $0x3  }
0x33: {  	p0 =	seq.s32 s10, $0x1;
	s10 =	sld [smem:$0x3FB8];
	_ =	sdelay $0x3  }
0x34: {  	[smem:$0x3FB8] =	sst s10  }
0x35: {  	s10 =	sld [smem:$0x3FB7];
	_ =	sdelay $0x3  }
0x36: {  	p1 =	seq.s32 s10, $0x1;
	s10 =	sld [smem:$0x3FB8];
	_ =	sdelay $0x3  }
0x37: {  	[smem:$0x3FB8] =	sst s10  }
0x38: {  	s10 =	sld [smem:$0x3FB9]  }
0x39: {  	_ = 	snop;
	(pc) =	sbr.ind lr, $3  }
0x3a: {  	_ = 	snop  }
0x3b: {  	_ = 	snop  }
0x3c: {  	p2 =	seq.s32 s10, $0x1;
	s10 =	sld [smem:$0x3FB8]  }
0x3d: {  	_ =	shalt  }
0x3e: {  	_ =	shalt  }
0x3f: {  	_ =	shalt  }
0x40: {  	_ =	shalt  }
0x41: {  	_ =	shalt  }
0x42: {  	_ =	shalt  }
0x43: {  	_ =	shalt  }
0x44: {  	_ =	shalt  }
0x45: {  	_ =	shalt  }
0x46: {  	_ =	shalt  }
0x47: {  	_ =	shalt  }
0x48: {  	_ =	shalt  }
0x49: {  	_ =	shalt  }
0x4a: {  	_ =	shalt  }
0x4b: {  	_ =	shalt  }
0x4c: {  	_ =	shalt  }
0x4d: {  	_ =	shalt  }
0x4e: {  	_ =	shalt  }
0x4f: {  	_ =	shalt  }
0x50: {  	_ =	shalt  }
0x51: {  	_ =	shalt  }
0x52: {  	_ =	shalt  }
0x53: {  	_ =	shalt  }
0x54: {  	_ =	shalt  }
0x55: {  	_ =	shalt  }
0x56: {  	_ =	shalt  }
0x57: {  	_ =	shalt  }
0x58: {  	_ =	shalt  }
0x59: {  	_ =	shalt  }
0x5a: {  	_ =	shalt  }
0x5b: {  	_ =	shalt  }
0x5c: {  	_ =	shalt  }
0x5d: {  	_ =	shalt  }
0x5e: {  	_ =	shalt  }
0x5f: {  	_ =	shalt  }
0x60: {  	_ =	shalt  }
0x61: {  	_ =	shalt  }
0x62: {  	_ =	shalt  }
0x63: {  	_ =	shalt  }
0x64: {  	_ =	shalt  }
0x65: {  	_ =	shalt  }
0x66: {  	_ =	shalt  }
0x67: {  	_ =	shalt  }
0x68: {  	_ =	shalt  }
0x69: {  	_ =	shalt  }
0x6a: {  	_ =	shalt  }
0x6b: {  	_ =	shalt  }
0x6c: {  	_ =	shalt  }
0x6d: {  	_ =	shalt  }
0x6e: {  	_ =	shalt  }
0x6f: {  	_ =	shalt  }
0x70: {  	_ =	shalt  }
0x71: {  	_ =	shalt  }
0x72: {  	_ =	shalt  }
0x73: {  	_ =	shalt  }
0x74: {  	_ =	shalt  }
0x75: {  	_ =	shalt  }
0x76: {  	_ =	shalt  }
0x77: {  	_ =	shalt  }
0x78: {  	_ =	shalt  }
0x79: {  	_ =	shalt  }
0x7a: {  	_ =	shalt  }
0x7b: {  	_ =	shalt  }
0x7c: {  	_ =	shalt  }
0x7d: {  	_ =	shalt  }
0x7e: {  	_ =	shalt  }
0x7f: {  	_ =	shalt  }
0x80: {  	_ =	shalt  }
0x81: {  	_ =	shalt  }
0x82: {  	_ =	shalt  }
0x83: {  	_ =	shalt  }
0x84: {  	_ =	shalt  }
0x85: {  	_ =	shalt  }
0x86: {  	_ =	shalt  }
0x87: {  	_ =	shalt  }
.Lfunc_end0:
.L_simem_size_0:
called_computation.1_lowered:
.L_overlay_start_0:
0x88: {  	s2 =	sld [smem:$0x3FD9]  }
0x89: {  	s3 =	sld [smem:$0x3FFE];
	_ =	sdelay $0x1  }
0x8a: {  	s1 =	srdreg.scid  }
0x8b: {  	s0 =	sand.u32 $0x1, s1  }
0x8c: {  	s17 =	sshll.u32 s0, $0xA;
	s2 =	sadd.s32 s3, s2  }
0x8d: {  	s2 =	sadd.s32 s2, s17  }
0x8e: {  	[smem:$0x3FC4] =	sst s2  }
0x8f: {  	_ = 	snop  }
0x90: {  	s2 =	sld [smem:$0x3FC6]  }
0x91: {  	s18 =	sld [smem:$0x3FD0];
	(tm) =	ssettm $0x1  }
0x92: {  	s4 =	sld [smem:$0x3FFB];
	_ =	sdelay $0x3  }
0x93: {  	_ =	strace s4  }
0x94: {  	s4 =	sld [smem:$0x3FFC];
	_ =	sdelay $0x3  }
0x95: {  	_ =	strace s4  }
0x96: {  	s4 =	sld [smem:$0x3FFD];
	_ =	sdelay $0x3  }
0x97: {  	_ =	strace s4  }
0x98: {  	_ =	strace $0x8FFFFFFF  }
0x99: {  	s19 =	sld [smem:$0x3FDB];
	_ =	sdelay $0x1  }
0x9a: {  	s5 =	simm.s32 $_scs_section_size  }
0x9b: {  	s6 =	simm.s32 $_size__tile_overlayer_lowered;
	s7 =	simm.s32 $_tile_overlayer_lowered  }
0x9c: {  	s22 =	simm.s32 $0x1BFF;
	s21 =	sshll.u32 s7, $0x1;
	s4 =	sadd.s32 s5, s19  }
0x9d: {  	s8 =	simm.s32 $0x0;
	s20 =	sshll.u32 s6, $0x1;
	s6 =	sadd.s32 s21, s4  }
0x9e: {  	[timem:s8], [sflag:s22] =	dma.local [hbm:s6], s20  }
0x9f: {  	_ =	swait.ge [sflag:s22], s20  }
0xa0: {  	s5 =	ssub.s32 $0x0, s20;
	[sflag:s22] =	ssyncset.done $0x0  }
0xa1: {  	[sflag:s22] =	ssyncadd.s32 s5;
	_ =	sdelay $0x1  }
0xa2: {  	s23 =	simm.s32 $0x1B8B  }
0xa3: {  	_ =	swait.ge [sflag:s23], $0x1  }
0xa4: {  	[sflag:s23] =	ssyncset.done $0x0  }
0xa5: {  	s25 =	simm.s32 $0x1B8E;
	s24 =	sld [smem:$0x3FFE];
	[sflag:s23] =	ssyncadd.s32 $0xFFFFFFFF  }
0xa6: {  	s26 =	simm.s32 $execute0_lowered;
	[smem:$0x3FD2] =	sst s25  }
0xa7: {  	s6 =	sshll.u32 s26, $0x1;
	_ =	strace $0x80000049;
	[dreg:$0x1] =	wrdreg $0xFFFFFFFF  }
0xa8: {  	s28 =	simm.s32 $_size_execute0_lowered;
	s4 =	sadd.s32 s4, s6;
	[dreg:$0x0] =	wrdreg $0x0  }
0xa9: {  	s6 =	sshll.u32 s28, $0x1;
	[dreg:$0x2] =	wrdreg s4  }
0xaa: {  	[dreg:$0x3] =	wrdreg s6  }
0xab: {  	[dreg:$0x4] =	wrdreg $0xC0  }
0xac: {  	_ =	task [dreg:s8], $0x5FFFF  }
0xad: {  	[dreg:$0x1] =	wrdreg $0xFFFFFFFF  }
0xae: {  	[dreg:$0x0] =	wrdreg $0x60  }
0xaf: {  	[dreg:$0x2] =	wrdreg s2  }
0xb0: {  	[dreg:$0x3] =	wrdreg s24  }
0xb1: {  	[dreg:$0x4] =	wrdreg s18  }
0xb2: {  	[dreg:$0x5] =	wrdreg $0x9  }
0xb3: {  	_ =	task.clear_ibuf [dreg:s8], $0x6FFFF;
	_ =	strace $0x90000049  }
0xb4: {  	s29 =	simm.s32 $0x9;
	_ =	strace $0x8000004B  }
0xb5: {  	_ =	swait.ge [sflag:s29], $0x1  }
0xb6: {  	[sflag:s29] =	ssyncadd.s32 $0xFFFFFFFF  }
0xb7: {  	_ =	strace $0x9000004B  }
0xb8: {  	_ =	sfence  }
0xb9: {  	s30 =	sld [smem:$0x0];
	_ =	sdelay $0x2  }
0xba: {  	s31 =	sshll.u32 s1, $0xD;
	s1 =	sshrl.u32 s1, $0x2  }
0xbb: {  	s3 =	sand.u32 $0x4000, s31;
	s1 =	sadd.s32 s1, s30  }
0xbc: {  	s0 =	sor.u32 s3, s0;
	s1 =	sshll.u32 s1, $0x11  }
0xbd: {  	s0 =	sor.u32 s1, s0  }
0xbe: {  	s0 =	sadd.s32 $0x8F2B, s0  }
0xbf: {  	[sflag:s0] =	ssyncadd.remote.s32 $0x1  }
0xc0: {  	_ =	sfence.sel $0xFFFF  }
0xc1: {  	[dreg:$0x0] =	wrdreg $0xFFFFFFFF;
	(pc) =	sbr.abs _section_cstart, $3  }
0xc2: {  	[dreg:$0x1] =	wrdreg $0xFFFFFFFF  }
0xc3: {  	_ =	task.clear_ibuf [dreg:s8], $0x2FFFF;
	_ =	strace $0x9FFFFFFF  }
0xc4: {  	(tm) =	ssettm $0x7FFFFFFF  }
0xc5: {  	_ =	shalt  }
tec
execute0_lowered:
.L_overlay_start_1:
0x0: {  	(tag) =	ssettag $0x1  }
0x1: {  	s0 =	srdreg.scid  }
0x2: {  	s10 =	sand.u32 $0x1, s0;
	s0 =	stileid.u32  }
0x3: {  	s4 =	sor.u32 s0, s10  }
0x4: {  	p0 =	sne.s32 s4, $0x0  }
.Ltmp0:
0x5: {  	_ = 	snop;
	(pc) =	sbr.rel @p0 .LBB2_4-.Ltmp0, $4  }
0x6: {  	s2 =	rddreg [dreg:$0x0]  }
0x7: {  	s8 =	rddreg [dreg:$0x1]  }
0x8: {  	s3 =	rddreg [dreg:$0x2]  }
0x9: {  	s1 =	rddreg [dreg:$0x3];
	_ =	strace $0x8000004A  }
0xa: {  	s4 =	sadd.s32 $0x2C00, s8  }
0xb: {  	s5 =	simm.s32 $0x0;
	s7 =	simm.s32 $0x18700;
	s6 =	simm.s32 $0x1  }
0xc: {  	[tilespmem:s7], [sflag:$0x1] =	stream.linear.gather [hbm4b:s4+s5], $0x3100, $0x38;
	[tilespmem:$0x1B800] =	vst v63  }
0xd: {  	_ =	swait.ge [sflag:s6], $0x3100  }
0xe: {  	[sflag:s6] =	ssyncset.done $0x0  }
0xf: {  	[sflag:s6] =	ssyncadd.s32 $0xFFFFCF00  }
0x10: {  	[hbm4b:s3+s5] =	stream.linear.scatter [tilespmem:s7], [sflag:$0x1], $0x3100, $0x38;
	[tilespmem:$0x1B800] =	vst v63  }
0x11: {  	_ =	swait.ge [sflag:s6], $0x3100  }
0x12: {  	[sflag:s6] =	ssyncset.done $0x0  }
0x13: {  	[sflag:s6] =	ssyncadd.s32 $0xFFFFCF00  }
0x14: {  	[tilespmem:s5], [sflag:$0x1] =	stream.linear.gather [hbm4b:s2+s5], $0xC380, $0x38;
	[tilespmem:$0x1B800] =	vst v63  }
0x15: {  	s10 =	ssub.s32 $0x2, s10;
	_ =	swait.ge [sflag:s6], $0xC380  }
0x16: {  	s8 =	sadd.s32 $0x1200, s8;
	s11 =	sshrl.u32 s10, $0x1;
	[sflag:s6] =	ssyncset.done $0x0  }
0x17: {  	s9 =	simm.s32 $0xC380;
	s11 =	ssub.s32 s10, s11;
	[sflag:s6] =	ssyncadd.s32 $0xFFFF3C80  }
0x18: {  	[tilespmem:s9], [sflag:$0x1] =	stream.linear.gather [hbm4b:s8+s5], $0xC380, $0x38;
	[tilespmem:$0x1B800] =	vst v63  }
0x19: {  	p0 =	sne.s32 s11, $0x1;
	_ =	swait.ge [sflag:s6], $0xC380  }
.Ltmp1:
0x1a: {  	[sflag:s6] =	ssyncset.done $0x0;
	(pc) =	sbr.rel @!p0 .LBB2_3-.Ltmp1, $4  }
0x1b: {  	s10 =	simm.s32 $0xC350;
	[sflag:s6] =	ssyncadd.s32 $0xFFFF3C80  }
0x1c: {  	[hbm4b:s3+s10] =	stream.indirect.scatter [tilespmem:s9], [sflag:$0x1], $0x1, s5, s10, $0xb8;
	[tilespmem:$0x1B800] =	vst v63  }
0x1d: {  	_ =	swait.ge [sflag:s6], $0xC350  }
0x1e: {  	s11 =	sadd.s32 $0xFFFFFFFF, s11;
	[sflag:s6] =	ssyncset.done $0x0  }
.LBB2_2:
0x1f: {  	p0 =	sne.s32 s11, $0x1;
	s11 =	sadd.s32 $0xFFFFFFFF, s11;
	[sflag:s6] =	ssyncadd.s32 $0xFFFF3CB0  }
0x20: {  	[tilespmem:s7], [sflag:$0x1] =	stream.linear.gather [hbm4b:s4+s5], $0x3100, $0x38;
	[tilespmem:$0x1B800] =	vst v63  }
0x21: {  	_ =	swait.ge [sflag:s6], $0x3100  }
0x22: {  	[sflag:s6] =	ssyncset.done $0x0  }
0x23: {  	[sflag:s6] =	ssyncadd.s32 $0xFFFFCF00  }
0x24: {  	[hbm4b:s3+s5] =	stream.linear.scatter [tilespmem:s7], [sflag:$0x1], $0x3100, $0x38;
	[tilespmem:$0x1B800] =	vst v63  }
0x25: {  	_ =	swait.ge [sflag:s6], $0x3100  }
0x26: {  	[sflag:s6] =	ssyncset.done $0x0  }
0x27: {  	[sflag:s6] =	ssyncadd.s32 $0xFFFFCF00  }
0x28: {  	[tilespmem:s5], [sflag:$0x1] =	stream.linear.gather [hbm4b:s2+s5], $0xC380, $0x38;
	[tilespmem:$0x1B800] =	vst v63  }
0x29: {  	_ =	swait.ge [sflag:s6], $0xC380  }
0x2a: {  	[sflag:s6] =	ssyncset.done $0x0  }
0x2b: {  	[sflag:s6] =	ssyncadd.s32 $0xFFFF3C80  }
0x2c: {  	[tilespmem:s9], [sflag:$0x1] =	stream.linear.gather [hbm4b:s8+s5], $0xC380, $0x38;
	[tilespmem:$0x1B800] =	vst v63  }
0x2d: {  	_ =	swait.ge [sflag:s6], $0xC380  }
.Ltmp2:
0x2e: {  	[sflag:s6] =	ssyncset.done $0x0;
	(pc) =	sbr.rel @p0 .LBB2_2-.Ltmp2, $4  }
0x2f: {  	[sflag:s6] =	ssyncadd.s32 $0xFFFF3C80  }
0x30: {  	[hbm4b:s3+s10] =	stream.indirect.scatter [tilespmem:s9], [sflag:$0x1], $0x1, s5, s10, $0xb8;
	[tilespmem:$0x1B800] =	vst v63  }
0x31: {  	_ =	swait.ge [sflag:s6], $0xC350  }
0x32: {  	[sflag:s6] =	ssyncset.done $0x0  }
.LBB2_3:
0x33: {  	[sflag:s6] =	ssyncadd.s32 $0xFFFF3CB0  }
.LBB2_4:
0x34: {  	_ =	sfence.sel $0x180000  }
0x35: {  	[bflag:$0x0] =	sbarrier.arrive $0xFFFF  }
0x36: {  	p0 =	sne.s32 s0, $0x0;
	_ =	strace $0x9000004A  }
0x37: {  	s0 =	sadd.s32 @!p0 $0x100000, s1;
	[bflag:$0x2] =	sbarrier.arrive $0xFFFF  }
0x38: {  	[sflag:s0] =	ssyncadd.tile.s32 @!p0 $0x1;
	_ =	shalt  }
.Lfunc_end2:
_tile_overlayer_lowered:
.L_overlay_start_2:
0x39: {  	(tag) =	ssettag $0x2  }
0x3a: {  	s0 =	rddreg [dreg:$0x0];
	s2 =	stileid.u32  }
0x3b: {  	s1 =	rddreg [dreg:$0x1];
	p0 =	sne.s32 s2, $0x0  }
0x3c: {  	s3 =	rddreg [dreg:$0x2];
	[bflag:$0x3] =	sbarrier.arrive $0xFFFF;
	s2 =	simm.s32 @!p0 $0x1C01  }
0x3d: {  	[timem:s3], [sflag:s2] =	dma.local @!p0 [hbm:s0], s1  }
0x3e: {  	s0 =	simm.s32 @!p0 $0x1  }
0x3f: {  	_ =	swait.ge @!p0 [sflag:s0], s1  }
0x40: {  	s1 =	ssub.s32 @!p0 $0x0, s1;
	[sflag:s0] =	ssyncset.done @!p0 $0x0  }
0x41: {  	[sflag:s0] =	ssyncadd.s32 @!p0 s1  }
0x42: {  	[bflag:$0x3] =	sbarrier.arrive $0xFFFF  }
0x43: {  	_ =	shalt  }

</sc_bundles>
